<compile_context>
chip_gen: v7x
topology: tpu7x:2x2x1
jax: 0.10.2.dev20260603
libtpu: 0.0.44.dev20260713+nightly
codegen_flags: <defaults>
</compile_context>

<pallas_src>
import jax
import jax.numpy as jnp
from jax import lax
from jax.experimental import pallas as pl
from jax.experimental.pallas import tpu as pltpu
from jax.experimental.pallas import tpu_sc as plsc

N = 10000
NC = 5000
E = 320000
EC = 160000
CI = 128
CO = 128
CH = 64

NCORES = 2
NSUB = 16
NW = NCORES * NSUB

CHUNK = 128
G1 = 80
G2 = 40
MPW = 160
MPAD = MPW * NW

ANP = 10112
UNP = 5120
AROWS = ANP // NSUB
UROWS = UNP // NSUB

_MESH = plsc.VectorSubcoreMesh(core_axis_name="c", subcore_axis_name="s")


def _pingpong_scatter_loop(tbl_hbm, idx_v, dst_v, acc_spm, r0, r1,
                           sg0, sg1, nchunks):

    def g_start(g, buf, sem):
        pltpu.async_copy(tbl_hbm.at[idx_v.at[g]], buf, sem)

    def g_wait(g, buf, sem):
        pltpu.make_async_copy(tbl_hbm.at[idx_v.at[g]], buf, sem).wait()

    def s_sync(g, buf):
        pltpu.sync_copy(buf, acc_spm.at[dst_v.at[g]], add=True)

    g_start(0, r0, sg0)
    g_start(1, r1, sg1)

    def body(j, carry):
        a = 2 * j
        g_wait(a, r0, sg0)
        s_sync(a, r0)

        @pl.when(j < nchunks // 2 - 1)
        def _():
            g_start(a + 2, r0, sg0)

        g_wait(a + 1, r1, sg1)
        s_sync(a + 1, r1)

        @pl.when(j < nchunks // 2 - 1)
        def _():
            g_start(a + 3, r1, sg1)

        return carry

    lax.fori_loop(0, nchunks // 2, body, 0)


def _sc_fine(x_hbm, src_hbm, dst_hbm, mid_hbm, az_hbm,
             apart_hbm, xs_hbm,
             a_spm, src_v, dst_v, r0, r1, midx_v,
             sg0, sg1, semx):
    c = lax.axis_index("c")
    s = lax.axis_index("s")
    w = c * NSUB + s
    pltpu.sync_copy(az_hbm.at[pl.ds(s * AROWS, AROWS)],
                    a_spm.at[pl.ds(s * AROWS, AROWS)])
    plsc.subcore_barrier()
    for p in range(2):
        pltpu.sync_copy(src_hbm.at[w, pl.ds(p * (G1 // 2), G1 // 2)], src_v)
        pltpu.sync_copy(dst_hbm.at[w, pl.ds(p * (G1 // 2), G1 // 2)], dst_v)
        _pingpong_scatter_loop(x_hbm, src_v, dst_v, a_spm, r0, r1,
                               sg0, sg1, G1 // 2)
    for half in range(2):
        base = w * MPW + half * 80
        pltpu.sync_copy(mid_hbm.at[pl.ds(base, 80)], midx_v)
        pltpu.async_copy(x_hbm.at[midx_v], r0.at[pl.ds(0, 80)], semx).wait()
        pltpu.sync_copy(r0.at[pl.ds(0, 80)], xs_hbm.at[pl.ds(base, 80)])
    plsc.subcore_barrier()
    pltpu.sync_copy(a_spm.at[pl.ds(s * AROWS, AROWS)],
                    apart_hbm.at[c, pl.ds(s * AROWS, AROWS)])


_sc1 = pl.kernel(
    _sc_fine,
    out_type=(jax.ShapeDtypeStruct((NCORES, ANP, CI), jnp.float32),
              jax.ShapeDtypeStruct((MPAD, CI), jnp.float32)),
    mesh=_MESH,
    scratch_types=[
        pltpu.VMEM_SHARED((ANP, CI), jnp.float32),
        pltpu.VMEM((G1 // 2, CHUNK), jnp.int32),
        pltpu.VMEM((G1 // 2, CHUNK), jnp.int32),
        pltpu.VMEM((CHUNK, CI), jnp.float32),
        pltpu.VMEM((CHUNK, CI), jnp.float32),
        pltpu.VMEM((80,), jnp.int32),
    ] + [pltpu.SemaphoreType.DMA] * 3,
)


def _sc_coarse(u_hbm, h1_hbm, mid_hbm, mg0_hbm, mg1_hbm, uz_hbm,
               upart_hbm, h1p_hbm,
               u_spm, midt_v, mg0_v, mg1_v, cid_v, r0, r1,
               midx_v,
               sg0, sg1, semx):
    c = lax.axis_index("c")
    s = lax.axis_index("s")
    w = c * NSUB + s
    pltpu.sync_copy(uz_hbm.at[pl.ds(s * UROWS, UROWS)],
                    u_spm.at[pl.ds(s * UROWS, UROWS)])
    plsc.subcore_barrier()
    pltpu.sync_copy(mid_hbm, midt_v)
    pltpu.sync_copy(mg0_hbm.at[w], mg0_v)
    pltpu.sync_copy(mg1_hbm.at[w], mg1_v)

    def cid_body(j, carry):
        row = j // (CHUNK // 16)
        col = (j % (CHUNK // 16)) * 16
        idx16 = mg0_v[row, pl.ds(col, 16)]
        cid_v[row, pl.ds(col, 16)] = plsc.load_gather(midt_v, [idx16])
        return carry

    lax.fori_loop(0, (G2 * CHUNK) // 16, cid_body, 0)
    _pingpong_scatter_loop(u_hbm, cid_v, mg1_v, u_spm, r0, r1,
                           sg0, sg1, G2)
    for half in range(2):
        base = w * MPW + half * 80
        pltpu.sync_copy(mid_hbm.at[pl.ds(base, 80)], midx_v)
        pltpu.async_copy(h1_hbm.at[midx_v], r0.at[pl.ds(0, 80)], semx).wait()
        pltpu.sync_copy(r0.at[pl.ds(0, 80)], h1p_hbm.at[pl.ds(base, 80)])
    plsc.subcore_barrier()
    pltpu.sync_copy(u_spm.at[pl.ds(s * UROWS, UROWS)],
                    upart_hbm.at[c, pl.ds(s * UROWS, UROWS)])


_sc2 = pl.kernel(
    _sc_coarse,
    out_type=(jax.ShapeDtypeStruct((NCORES, UNP, CO), jnp.float32),
              jax.ShapeDtypeStruct((MPAD, CI), jnp.float32)),
    mesh=_MESH,
    scratch_types=[
        pltpu.VMEM_SHARED((UNP, CO), jnp.float32),
        pltpu.VMEM((MPAD,), jnp.int32),
        pltpu.VMEM((G2, CHUNK), jnp.int32),
        pltpu.VMEM((G2, CHUNK), jnp.int32),
        pltpu.VMEM((G2, CHUNK), jnp.int32),
        pltpu.VMEM((CHUNK, CO), jnp.float32),
        pltpu.VMEM((CHUNK, CO), jnp.float32),
        pltpu.VMEM((80,), jnp.int32),
    ] + [pltpu.SemaphoreType.DMA] * 3,
    compiler_params=pltpu.CompilerParams(needs_layout_passes=False),
)


def _tc1_body(ap_ref, x_ref, w1m_ref, w1s_ref, b1_ref, wsm_ref, w2m_ref,
              h1_ref, u_ref):
    a = ap_ref[0] + ap_ref[1]
    h1 = (jnp.dot(a, w1m_ref[...], preferred_element_type=jnp.float32)
          + jnp.dot(x_ref[...], w1s_ref[...],
                    preferred_element_type=jnp.float32)
          + b1_ref[...])
    h1_ref[...] = jnp.concatenate([h1, jnp.zeros_like(h1)], axis=1)
    u_ref[...] = (jnp.dot(x_ref[...], wsm_ref[...],
                          preferred_element_type=jnp.float32)
                  + jnp.dot(h1, w2m_ref[...],
                            preferred_element_type=jnp.float32))


def _tc2_body(up_ref, xs_ref, h1p_ref, wss_ref, w2s_ref, b2_ref, bs_ref,
              o_ref):
    acc = (up_ref[0] + up_ref[1]
           + jnp.dot(xs_ref[...], wss_ref[...],
                     preferred_element_type=jnp.float32)
           + jnp.dot(h1p_ref[...], w2s_ref[...],
                     preferred_element_type=jnp.float32)
           + b2_ref[...] + bs_ref[...])
    o_ref[...] = jnp.maximum(acc, 0.0)


def kernel(x, edge_index, m_id, m_g, W1m, W1s, b1, W2m, W2s, b2,
           Wsm, Wss, bs):
    src = edge_index[0].astype(jnp.int32)
    dst = edge_index[1].astype(jnp.int32)
    mg0 = m_g[0].astype(jnp.int32)
    mg1 = m_g[1].astype(jnp.int32)
    mid = m_id.astype(jnp.int32)

    ep1 = NW * G1 * CHUNK
    src_p = jnp.concatenate(
        [src, jnp.zeros((ep1 - E,), jnp.int32)]).reshape(NW, G1, CHUNK)
    dst_p = jnp.concatenate(
        [dst, jnp.full((ep1 - E,), N, jnp.int32)]).reshape(NW, G1, CHUNK)
    ep2 = NW * G2 * CHUNK
    mg0_p = jnp.concatenate(
        [mg0, jnp.zeros((ep2 - EC,), jnp.int32)]).reshape(NW, G2, CHUNK)
    mg1_p = jnp.concatenate(
        [mg1, jnp.full((ep2 - EC,), NC, jnp.int32)]).reshape(NW, G2, CHUNK)
    mid_p = jnp.concatenate([mid, jnp.zeros((MPAD - NC,), jnp.int32)])
    az = jnp.zeros((ANP, CI), jnp.float32)
    uz = jnp.zeros((UNP, CO), jnp.float32)

    apart, xs = _sc1(x, src_p, dst_p, mid_p, az)

    h1pad, u = pl.pallas_call(
        _tc1_body,
        out_shape=(jax.ShapeDtypeStruct((N, CI), jnp.float32),
                   jax.ShapeDtypeStruct((N, CO), jnp.float32)),
    )(apart[:, :N], x, W1m, W1s, b1.reshape(1, CH), Wsm, W2m)

    upart, h1p = _sc2(u, h1pad, mid_p, mg0_p, mg1_p, uz)

    out = pl.pallas_call(
        _tc2_body,
        out_shape=jax.ShapeDtypeStruct((NC, CO), jnp.float32),
    )(upart[:, :NC], xs[:NC], h1p[:NC, :CH], Wss, W2s,
      b2.reshape(1, CO), bs.reshape(1, CO))
    return out

# --- scband reference (transcript-rebuilt; emitter-appended) ---
"""Pipeline reference for scband-res-down-5626407158303 (READ-ONLY COPY).

The authoritative reference and input builder live on the scoring server;
editing this copy changes nothing except your own understanding.
"""

import jax, jax.numpy as jnp
import numpy as np

N = 10000
NC = 5000
E = 320000
EC = 160000
C_IN = 128
C_OUT = 128
C_HID = C_OUT // 2


def _mpl(x, edge_index, W_msg, W_self, b, num_nodes):
    # MessagePassingLayer: message = Linear(x_src); aggregate = sum at dst; update = agg + Linear(x) + b
    src = edge_index[0]
    dst = edge_index[1]
    msg = x[src] @ W_msg
    agg = jax.ops.segment_sum(msg, dst, num_segments=num_nodes)
    return agg + x @ W_self + b


def setup_inputs(seed: int = 0) -> dict:
    key = jax.random.key(seed)
    ks = jax.random.split(key, 16)
    x = jax.random.normal(ks[0], (N, C_IN), dtype=jnp.float32)
    edge_index = jax.random.randint(ks[1], (2, E), 0, N, dtype=jnp.int64)
    m_id = jnp.sort(jax.random.randint(ks[2], (NC,), 0, N, dtype=jnp.int64))
    m_g = jax.random.randint(ks[3], (2, EC), 0, NC, dtype=jnp.int64)
    def glorot(k, fan_in, fan_out):
        s = jnp.sqrt(2.0 / (fan_in + fan_out))
        return jax.random.normal(k, (fan_in, fan_out), dtype=jnp.float32) * s
    # mpl1: C_IN -> C_HID
    W1m = glorot(ks[4], C_IN, C_HID)
    W1s = glorot(ks[5], C_IN, C_HID)
    b1 = jnp.zeros((C_HID,), dtype=jnp.float32)
    # mpl2: C_HID -> C_OUT
    W2m = glorot(ks[6], C_HID, C_OUT)
    W2s = glorot(ks[7], C_HID, C_OUT)
    b2 = jnp.zeros((C_OUT,), dtype=jnp.float32)
    # mpl_skip: C_IN -> C_OUT
    Wsm = glorot(ks[8], C_IN, C_OUT)
    Wss = glorot(ks[9], C_IN, C_OUT)
    bs = jnp.zeros((C_OUT,), dtype=jnp.float32)
    return {"x": x, "edge_index": edge_index, "m_id": m_id, "m_g": m_g,
            "W1m": W1m, "W1s": W1s, "b1": b1,
            "W2m": W2m, "W2s": W2s, "b2": b2,
            "Wsm": Wsm, "Wss": Wss, "bs": bs}


def reference(x, edge_index, m_id, m_g, W1m, W1s, b1, W2m, W2s, b2, Wsm, Wss, bs):
    # skip path: bi-pool (gather kept nodes, coarse edges), then mpl_skip
    x_skip = x[m_id]
    h_skip = _mpl(x_skip, m_g, Wsm, Wss, bs, NC)
    # main path: mpl1 on fine graph, pool, mpl2 on coarse graph
    h1 = _mpl(x, edge_index, W1m, W1s, b1, N)
    h1p = h1[m_id]
    h2 = _mpl(h1p, m_g, W2m, W2s, b2, NC)
    # residual add + ReLU (act1)
    out = jax.nn.relu(h2 + h_skip)
    return out

if __name__ == "__main__":
    import jax
    _d = setup_inputs()
    print(jax.jit(kernel)(*tuple(_d.values())))

</pallas_src>

<mosaic_0001>
#map = affine_map<(d0, d1) -> (0, 0)>
#map1 = affine_map<(d0, d1) -> (0)>
#map2 = affine_map<(d0, d1) -> (0, 0, 0)>
module attributes {stable_mosaic.version = 14 : i64} {
  func.func @_sc_coarse(%arg0: i32, %arg1: i32, %arg2: memref<10000x128xf32, #tpu.memory_space<hbm>>, %arg3: memref<10000x128xf32, #tpu.memory_space<hbm>>, %arg4: memref<5120xi32, #tpu.memory_space<hbm>>, %arg5: memref<32x40x128xi32, #tpu.memory_space<hbm>>, %arg6: memref<32x40x128xi32, #tpu.memory_space<hbm>>, %arg7: memref<5120x128xf32, #tpu.memory_space<hbm>>, %arg8: memref<2x5120x128xf32, #tpu.memory_space<hbm>>, %arg9: memref<5120x128xf32, #tpu.memory_space<hbm>>, %arg10: memref<5120x128xf32, #tpu.memory_space<vmem_shared>>, %arg11: memref<5120xi32, #tpu.memory_space<vmem>>, %arg12: memref<40x128xi32, #tpu.memory_space<vmem>>, %arg13: memref<40x128xi32, #tpu.memory_space<vmem>>, %arg14: memref<40x128xi32, #tpu.memory_space<vmem>>, %arg15: memref<128x128xf32, #tpu.memory_space<vmem>>, %arg16: memref<128x128xf32, #tpu.memory_space<vmem>>, %arg17: memref<80xi32, #tpu.memory_space<vmem>>, %arg18: memref<!tpu.dma_semaphore, #tpu.memory_space<semaphore_mem>>, %arg19: memref<!tpu.dma_semaphore, #tpu.memory_space<semaphore_mem>>, %arg20: memref<!tpu.dma_semaphore, #tpu.memory_space<semaphore_mem>>) attributes {dimension_semantics = [#tpu.dimension_semantics<core_parallel>, #tpu.dimension_semantics<subcore_parallel>], iteration_bounds = array<i64: 2, 16>, scalar_prefetch = 0 : i64, scratch_operands = 11 : i64, tpu.core_type = #tpu.core_type<sc_vector_subcore>, window_params = [{transform_indices = #map}, {transform_indices = #map}, {transform_indices = #map1}, {transform_indices = #map2}, {transform_indices = #map2}, {transform_indices = #map}, {transform_indices = #map2}, {transform_indices = #map}]} {
    %mul3A = arith.constant 16 : i32
    %mul3A_0 = arith.muli %arg0, %mul3A : i32
    %add3A = arith.addi %mul3A_0, %arg1 : i32
    %mul3A_1 = arith.constant 320 : i32
    %mul3A_2 = arith.muli %arg1, %mul3A_1 : i32
    %mul3A_3 = arith.constant 320 : i32
    %mul3A_4 = arith.muli %arg1, %mul3A_3 : i32
    "tpu.region"() ({
      %run_scoped3A = tpu.sem_alloc : memref<!tpu.dma_semaphore, #tpu.memory_space<semaphore_mem>>
      %dma_start3A_65 = arith.constant 0 : i32
      %dma_start3A_66 = tpu.memref_slice %arg10[%mul3A_4, %dma_start3A_65] : memref<5120x128xf32, #tpu.memory_space<vmem_shared>> -> memref<320x128xf32, #tpu.memory_space<vmem_shared>>
      %dma_start3A_67 = arith.constant 0 : i32
      %dma_start3A_68 = tpu.memref_slice %arg7[%mul3A_2, %dma_start3A_67] : memref<5120x128xf32, #tpu.memory_space<hbm>> -> memref<320x128xf32, #tpu.memory_space<hbm>>
      tpu.enqueue_dma source(%dma_start3A_68 : memref<320x128xf32, #tpu.memory_space<hbm>>) target(%dma_start3A_66 : memref<320x128xf32, #tpu.memory_space<vmem_shared>>) target_semaphore(%run_scoped3A : memref<!tpu.dma_semaphore, #tpu.memory_space<semaphore_mem>>)
      %dma_wait3A_69 = arith.constant 0 : i32
      %dma_wait3A_70 = tpu.memref_slice %arg10[%mul3A_4, %dma_wait3A_69] : memref<5120x128xf32, #tpu.memory_space<vmem_shared>> -> memref<320x128xf32, #tpu.memory_space<vmem_shared>>
      %dma_wait3A_71 = arith.constant 0 : i32
      %dma_wait3A_72 = tpu.memref_slice %arg7[%mul3A_2, %dma_wait3A_71] : memref<5120x128xf32, #tpu.memory_space<hbm>> -> memref<320x128xf32, #tpu.memory_space<hbm>>
      tpu.wait_dma2 semaphore(%run_scoped3A : memref<!tpu.dma_semaphore, #tpu.memory_space<semaphore_mem>>) src(%dma_wait3A_72 : memref<320x128xf32, #tpu.memory_space<hbm>>) dst(%dma_wait3A_70 : memref<320x128xf32, #tpu.memory_space<vmem_shared>>)
      tpu.yield
    }) : () -> ()
    %barrier3A = arith.constant 0 : index
    tpu.barrier barrier_id(%barrier3A)
    "tpu.region"() ({
      %run_scoped3A = tpu.sem_alloc : memref<!tpu.dma_semaphore, #tpu.memory_space<semaphore_mem>>
      tpu.enqueue_dma source(%arg4 : memref<5120xi32, #tpu.memory_space<hbm>>) target(%arg11 : memref<5120xi32, #tpu.memory_space<vmem>>) target_semaphore(%run_scoped3A : memref<!tpu.dma_semaphore, #tpu.memory_space<semaphore_mem>>)
      tpu.wait_dma2 semaphore(%run_scoped3A : memref<!tpu.dma_semaphore, #tpu.memory_space<semaphore_mem>>) src(%arg4 : memref<5120xi32, #tpu.memory_space<hbm>>) dst(%arg11 : memref<5120xi32, #tpu.memory_space<vmem>>)
      tpu.yield
    }) : () -> ()
    "tpu.region"() ({
      %run_scoped3A = tpu.sem_alloc : memref<!tpu.dma_semaphore, #tpu.memory_space<semaphore_mem>>
      %dma_start3A_65 = arith.constant 0 : i32
      %dma_start3A_66 = arith.constant 0 : i32
      %dma_start3A_67 = tpu.memref_slice %arg5[%add3A, %dma_start3A_65, %dma_start3A_66] : memref<32x40x128xi32, #tpu.memory_space<hbm>> -> memref<1x40x128xi32, #tpu.memory_space<hbm>>
      %dma_start3A_68 = tpu.memref_squeeze %dma_start3A_67 : memref<1x40x128xi32, #tpu.memory_space<hbm>> -> memref<40x128xi32, #tpu.memory_space<hbm>>
      %dma_start3A_69 = arith.constant 0 : i32
      %dma_start3A_70 = arith.constant 0 : i32
      %dma_start3A_71 = tpu.memref_slice %arg5[%add3A, %dma_start3A_69, %dma_start3A_70] : memref<32x40x128xi32, #tpu.memory_space<hbm>> -> memref<1x40x128xi32, #tpu.memory_space<hbm>>
      %dma_start3A_72 = tpu.memref_squeeze %dma_start3A_71 : memref<1x40x128xi32, #tpu.memory_space<hbm>> -> memref<40x128xi32, #tpu.memory_space<hbm>>
      tpu.enqueue_dma source(%dma_start3A_72 : memref<40x128xi32, #tpu.memory_space<hbm>>) target(%arg12 : memref<40x128xi32, #tpu.memory_space<vmem>>) target_semaphore(%run_scoped3A : memref<!tpu.dma_semaphore, #tpu.memory_space<semaphore_mem>>)
      %dma_wait3A_73 = arith.constant 0 : i32
      %dma_wait3A_74 = arith.constant 0 : i32
      %dma_wait3A_75 = tpu.memref_slice %arg5[%add3A, %dma_wait3A_73, %dma_wait3A_74] : memref<32x40x128xi32, #tpu.memory_space<hbm>> -> memref<1x40x128xi32, #tpu.memory_space<hbm>>
      %dma_wait3A_76 = tpu.memref_squeeze %dma_wait3A_75 : memref<1x40x128xi32, #tpu.memory_space<hbm>> -> memref<40x128xi32, #tpu.memory_space<hbm>>
      %dma_wait3A_77 = arith.constant 0 : i32
      %dma_wait3A_78 = arith.constant 0 : i32
      %dma_wait3A_79 = tpu.memref_slice %arg5[%add3A, %dma_wait3A_77, %dma_wait3A_78] : memref<32x40x128xi32, #tpu.memory_space<hbm>> -> memref<1x40x128xi32, #tpu.memory_space<hbm>>
      %dma_wait3A_80 = tpu.memref_squeeze %dma_wait3A_79 : memref<1x40x128xi32, #tpu.memory_space<hbm>> -> memref<40x128xi32, #tpu.memory_space<hbm>>
      tpu.wait_dma2 semaphore(%run_scoped3A : memref<!tpu.dma_semaphore, #tpu.memory_space<semaphore_mem>>) src(%dma_wait3A_80 : memref<40x128xi32, #tpu.memory_space<hbm>>) dst(%arg12 : memref<40x128xi32, #tpu.memory_space<vmem>>)
      tpu.yield
    }) : () -> ()
    "tpu.region"() ({
      %run_scoped3A = tpu.sem_alloc : memref<!tpu.dma_semaphore, #tpu.memory_space<semaphore_mem>>
      %dma_start3A_65 = arith.constant 0 : i32
      %dma_start3A_66 = arith.constant 0 : i32
      %dma_start3A_67 = tpu.memref_slice %arg6[%add3A, %dma_start3A_65, %dma_start3A_66] : memref<32x40x128xi32, #tpu.memory_space<hbm>> -> memref<1x40x128xi32, #tpu.memory_space<hbm>>
      %dma_start3A_68 = tpu.memref_squeeze %dma_start3A_67 : memref<1x40x128xi32, #tpu.memory_space<hbm>> -> memref<40x128xi32, #tpu.memory_space<hbm>>
      %dma_start3A_69 = arith.constant 0 : i32
      %dma_start3A_70 = arith.constant 0 : i32
      %dma_start3A_71 = tpu.memref_slice %arg6[%add3A, %dma_start3A_69, %dma_start3A_70] : memref<32x40x128xi32, #tpu.memory_space<hbm>> -> memref<1x40x128xi32, #tpu.memory_space<hbm>>
      %dma_start3A_72 = tpu.memref_squeeze %dma_start3A_71 : memref<1x40x128xi32, #tpu.memory_space<hbm>> -> memref<40x128xi32, #tpu.memory_space<hbm>>
      tpu.enqueue_dma source(%dma_start3A_72 : memref<40x128xi32, #tpu.memory_space<hbm>>) target(%arg13 : memref<40x128xi32, #tpu.memory_space<vmem>>) target_semaphore(%run_scoped3A : memref<!tpu.dma_semaphore, #tpu.memory_space<semaphore_mem>>)
      %dma_wait3A_73 = arith.constant 0 : i32
      %dma_wait3A_74 = arith.constant 0 : i32
      %dma_wait3A_75 = tpu.memref_slice %arg6[%add3A, %dma_wait3A_73, %dma_wait3A_74] : memref<32x40x128xi32, #tpu.memory_space<hbm>> -> memref<1x40x128xi32, #tpu.memory_space<hbm>>
      %dma_wait3A_76 = tpu.memref_squeeze %dma_wait3A_75 : memref<1x40x128xi32, #tpu.memory_space<hbm>> -> memref<40x128xi32, #tpu.memory_space<hbm>>
      %dma_wait3A_77 = arith.constant 0 : i32
      %dma_wait3A_78 = arith.constant 0 : i32
      %dma_wait3A_79 = tpu.memref_slice %arg6[%add3A, %dma_wait3A_77, %dma_wait3A_78] : memref<32x40x128xi32, #tpu.memory_space<hbm>> -> memref<1x40x128xi32, #tpu.memory_space<hbm>>
      %dma_wait3A_80 = tpu.memref_squeeze %dma_wait3A_79 : memref<1x40x128xi32, #tpu.memory_space<hbm>> -> memref<40x128xi32, #tpu.memory_space<hbm>>
      tpu.wait_dma2 semaphore(%run_scoped3A : memref<!tpu.dma_semaphore, #tpu.memory_space<semaphore_mem>>) src(%dma_wait3A_80 : memref<40x128xi32, #tpu.memory_space<hbm>>) dst(%arg13 : memref<40x128xi32, #tpu.memory_space<vmem>>)
      tpu.yield
    }) : () -> ()
    %scan3A = arith.constant 0 : i32
    %scan3A_5 = arith.constant 0 : i32
    %scan3A_6 = arith.constant 320 : i32
    %scan3A_7 = arith.addi %scan3A_5, %scan3A_6 : i32
    %scan3A_8 = arith.constant 1 : i32
    scf.for %scan3A_65 = %scan3A_5 to %scan3A_7 step %scan3A_8  : i32 {
      %jit3A = arith.constant 8 : i32
      %div3A = arith.divsi %scan3A_65, %jit3A : i32
      %sign3A = arith.constant 0 : i32
      %sign3A_66 = arith.cmpi sgt, %scan3A_65, %sign3A : i32
      %sign3A_67 = arith.extui %sign3A_66 : i1 to i32
      %sign3A_68 = arith.constant 0 : i32
      %sign3A_69 = arith.cmpi slt, %scan3A_65, %sign3A_68 : i32
      %sign3A_70 = arith.extui %sign3A_69 : i1 to i32
      %sign3A_71 = arith.subi %sign3A_67, %sign3A_70 : i32
      %sign3A_72 = arith.constant 0 : i32
      %sign3A_73 = arith.cmpi sgt, %jit3A, %sign3A_72 : i32
      %sign3A_74 = arith.extui %sign3A_73 : i1 to i32
      %sign3A_75 = arith.constant 0 : i32
      %sign3A_76 = arith.cmpi slt, %jit3A, %sign3A_75 : i32
      %sign3A_77 = arith.extui %sign3A_76 : i1 to i32
      %sign3A_78 = arith.subi %sign3A_74, %sign3A_77 : i32
      %ne3A = arith.cmpi ne, %sign3A_71, %sign3A_78 : i32
      %rem3A = arith.remsi %scan3A_65, %jit3A : i32
      %ne3A_79 = arith.constant 0 : i32
      %ne3A_80 = arith.cmpi ne, %rem3A, %ne3A_79 : i32
      %and3A = arith.andi %ne3A, %ne3A_80 : i1
      %sub3A = arith.constant 1 : i32
      %sub3A_81 = arith.subi %div3A, %sub3A : i32
      %select_n3A = arith.select %and3A, %sub3A_81, %div3A : i32
      %jit3A_82 = arith.constant 8 : i32
      %eq3A = arith.constant 0 : i32
      %eq3A_83 = arith.cmpi eq, %jit3A_82, %eq3A : i32
      %jit3A_84 = arith.constant 1 : i32
      %select_n3A_85 = arith.select %eq3A_83, %jit3A_84, %jit3A_82 : i32
      %rem3A_86 = arith.remsi %scan3A_65, %select_n3A_85 : i32
      %ne3A_87 = arith.constant 0 : i32
      %ne3A_88 = arith.cmpi ne, %rem3A_86, %ne3A_87 : i32
      %lt3A = arith.constant 0 : i32
      %lt3A_89 = arith.cmpi slt, %rem3A_86, %lt3A : i32
      %lt3A_90 = arith.constant 0 : i32
      %lt3A_91 = arith.cmpi slt, %select_n3A_85, %lt3A_90 : i32
      %ne3A_92 = arith.xori %lt3A_89, %lt3A_91 : i1
      %and3A_93 = arith.andi %ne3A_92, %ne3A_88 : i1
      %add3A_94 = arith.addi %rem3A_86, %select_n3A_85 : i32
      %select_n3A_95 = arith.select %and3A_93, %add3A_94, %rem3A_86 : i32
      %mul3A_96 = arith.constant 16 : i32
      %mul3A_97 = arith.muli %select_n3A_95, %mul3A_96 : i32
      %get3A = arith.index_cast %select_n3A : i32 to index
      %get3A_98 = arith.index_cast %mul3A_97 : i32 to index
      %get3A_99 = tpu.vector_load %arg12[%get3A, %get3A_98] {strides = array<i32>} : memref<40x128xi32, #tpu.memory_space<vmem>>, vector<16xi32>,
      %gather3A = tpu.vector_load_idx %arg11[%get3A_99] : memref<5120xi32, #tpu.memory_space<vmem>>[vector<16xi32>], vector<16xi32>,
      %swap3A = arith.index_cast %select_n3A : i32 to index
      %swap3A_100 = arith.index_cast %mul3A_97 : i32 to index
      %swap3A_101 = tpu.vector_load %arg14[%swap3A, %swap3A_100] {strides = array<i32>} : memref<40x128xi32, #tpu.memory_space<vmem>>, vector<16xi32>,
      tpu.vector_store %arg14[%swap3A, %swap3A_100], %gather3A {strides = array<i32>} : memref<40x128xi32, #tpu.memory_space<vmem>>, vector<16xi32>,
    }
    %scan3A_9 = arith.constant 320 : i32
    %dma_start3A = arith.constant 0 : i32
    %dma_start3A_10 = arith.constant 0 : i32
    %dma_start3A_11 = tpu.memref_slice %arg14[%dma_start3A, %dma_start3A_10] : memref<40x128xi32, #tpu.memory_space<vmem>> -> memref<1x128xi32, #tpu.memory_space<vmem>>
    %dma_start3A_12 = tpu.memref_squeeze %dma_start3A_11 : memref<1x128xi32, #tpu.memory_space<vmem>> -> memref<128xi32, #tpu.memory_space<vmem>>
    %dma_start3A_13 = arith.constant 0 : i32
    %dma_start3A_14 = arith.constant 0 : i32
    %dma_start3A_15 = tpu.memref_slice %arg2[%dma_start3A_13, %dma_start3A_14] : memref<10000x128xf32, #tpu.memory_space<hbm>> -> memref<10000x128xf32, #tpu.memory_space<hbm>>
    tpu.enqueue_indirect_dma source(%dma_start3A_15 : memref<10000x128xf32, #tpu.memory_space<hbm>>) target(%arg15 : memref<128x128xf32, #tpu.memory_space<vmem>>) offsets(%dma_start3A_12 : memref<128xi32, #tpu.memory_space<vmem>>) semaphore(%arg18 : memref<!tpu.dma_semaphore, #tpu.memory_space<semaphore_mem>>)
    %dma_start3A_16 = arith.constant 1 : i32
    %dma_start3A_17 = arith.constant 0 : i32
    %dma_start3A_18 = tpu.memref_slice %arg14[%dma_start3A_16, %dma_start3A_17] : memref<40x128xi32, #tpu.memory_space<vmem>> -> memref<1x128xi32, #tpu.memory_space<vmem>>
    %dma_start3A_19 = tpu.memref_squeeze %dma_start3A_18 : memref<1x128xi32, #tpu.memory_space<vmem>> -> memref<128xi32, #tpu.memory_space<vmem>>
    %dma_start3A_20 = arith.constant 0 : i32
    %dma_start3A_21 = arith.constant 0 : i32
    %dma_start3A_22 = tpu.memref_slice %arg2[%dma_start3A_20, %dma_start3A_21] : memref<10000x128xf32, #tpu.memory_space<hbm>> -> memref<10000x128xf32, #tpu.memory_space<hbm>>
    tpu.enqueue_indirect_dma source(%dma_start3A_22 : memref<10000x128xf32, #tpu.memory_space<hbm>>) target(%arg16 : memref<128x128xf32, #tpu.memory_space<vmem>>) offsets(%dma_start3A_19 : memref<128xi32, #tpu.memory_space<vmem>>) semaphore(%arg19 : memref<!tpu.dma_semaphore, #tpu.memory_space<semaphore_mem>>)
    %scan3A_23 = arith.constant 0 : i32
    %scan3A_24 = arith.constant 0 : i32
    %scan3A_25 = arith.constant 20 : i32
    %scan3A_26 = arith.addi %scan3A_24, %scan3A_25 : i32
    %scan3A_27 = arith.constant 1 : i32
    scf.for %scan3A_65 = %scan3A_24 to %scan3A_26 step %scan3A_27  : i32 {
      %mul3A_66 = arith.constant 2 : i32
      %mul3A_67 = arith.muli %mul3A_66, %scan3A_65 : i32
      %dma_wait3A_68 = arith.constant 0 : i32
      %dma_wait3A_69 = tpu.memref_slice %arg14[%mul3A_67, %dma_wait3A_68] : memref<40x128xi32, #tpu.memory_space<vmem>> -> memref<1x128xi32, #tpu.memory_space<vmem>>
      %dma_wait3A_70 = tpu.memref_squeeze %dma_wait3A_69 : memref<1x128xi32, #tpu.memory_space<vmem>> -> memref<128xi32, #tpu.memory_space<vmem>>
      %dma_wait3A_71 = arith.constant 0 : i32
      %dma_wait3A_72 = arith.constant 0 : i32
      %dma_wait3A_73 = tpu.memref_slice %arg2[%dma_wait3A_71, %dma_wait3A_72] : memref<10000x128xf32, #tpu.memory_space<hbm>> -> memref<10000x128xf32, #tpu.memory_space<hbm>>
      tpu.wait_indirect_dma semaphore(%arg18 : memref<!tpu.dma_semaphore, #tpu.memory_space<semaphore_mem>>) src(%dma_wait3A_73 : memref<10000x128xf32, #tpu.memory_space<hbm>>) dst(%arg15 : memref<128x128xf32, #tpu.memory_space<vmem>>)
      "tpu.region"() ({
        %run_scoped3A = tpu.sem_alloc : memref<!tpu.dma_semaphore, #tpu.memory_space<semaphore_mem>>
        %dma_start3A_91 = arith.constant 0 : i32
        %dma_start3A_92 = tpu.memref_slice %arg13[%mul3A_67, %dma_start3A_91] : memref<40x128xi32, #tpu.memory_space<vmem>> -> memref<1x128xi32, #tpu.memory_space<vmem>>
        %dma_start3A_93 = tpu.memref_squeeze %dma_start3A_92 : memref<1x128xi32, #tpu.memory_space<vmem>> -> memref<128xi32, #tpu.memory_space<vmem>>
        %dma_start3A_94 = arith.constant 0 : i32
        %dma_start3A_95 = arith.constant 0 : i32
        %dma_start3A_96 = tpu.memref_slice %arg10[%dma_start3A_94, %dma_start3A_95] : memref<5120x128xf32, #tpu.memory_space<vmem_shared>> -> memref<5120x128xf32, #tpu.memory_space<vmem_shared>>
        tpu.enqueue_indirect_dma source(%arg15 : memref<128x128xf32, #tpu.memory_space<vmem>>) target(%dma_start3A_96 : memref<5120x128xf32, #tpu.memory_space<vmem_shared>>) offsets(%dma_start3A_93 : memref<128xi32, #tpu.memory_space<vmem>>) semaphore(%run_scoped3A : memref<!tpu.dma_semaphore, #tpu.memory_space<semaphore_mem>>) {add = true}
        %dma_wait3A_97 = arith.constant 0 : i32
        %dma_wait3A_98 = tpu.memref_slice %arg13[%mul3A_67, %dma_wait3A_97] : memref<40x128xi32, #tpu.memory_space<vmem>> -> memref<1x128xi32, #tpu.memory_space<vmem>>
        %dma_wait3A_99 = tpu.memref_squeeze %dma_wait3A_98 : memref<1x128xi32, #tpu.memory_space<vmem>> -> memref<128xi32, #tpu.memory_space<vmem>>
        %dma_wait3A_100 = arith.constant 0 : i32
        %dma_wait3A_101 = arith.constant 0 : i32
        %dma_wait3A_102 = tpu.memref_slice %arg10[%dma_wait3A_100, %dma_wait3A_101] : memref<5120x128xf32, #tpu.memory_space<vmem_shared>> -> memref<5120x128xf32, #tpu.memory_space<vmem_shared>>
        tpu.wait_indirect_dma semaphore(%run_scoped3A : memref<!tpu.dma_semaphore, #tpu.memory_space<semaphore_mem>>) src(%arg15 : memref<128x128xf32, #tpu.memory_space<vmem>>) dst(%dma_wait3A_102 : memref<5120x128xf32, #tpu.memory_space<vmem_shared>>)
        tpu.yield
      }) : () -> ()
      %lt3A = arith.constant 19 : i32
      %lt3A_74 = arith.cmpi slt, %scan3A_65, %lt3A : i32
      %convert_element_type3A = arith.extui %lt3A_74 : i1 to i32
      %cond3A = arith.constant 0 : i32
      %cond3A_75 = arith.cmpi ne, %convert_element_type3A, %cond3A : i32
      scf.if %cond3A_75 {
        %add3A_91 = arith.constant 2 : i32
        %add3A_92 = arith.addi %mul3A_67, %add3A_91 : i32
        %dma_start3A_93 = arith.constant 0 : i32
        %dma_start3A_94 = tpu.memref_slice %arg14[%add3A_92, %dma_start3A_93] : memref<40x128xi32, #tpu.memory_space<vmem>> -> memref<1x128xi32, #tpu.memory_space<vmem>>
        %dma_start3A_95 = tpu.memref_squeeze %dma_start3A_94 : memref<1x128xi32, #tpu.memory_space<vmem>> -> memref<128xi32, #tpu.memory_space<vmem>>
        %dma_start3A_96 = arith.constant 0 : i32
        %dma_start3A_97 = arith.constant 0 : i32
        %dma_start3A_98 = tpu.memref_slice %arg2[%dma_start3A_96, %dma_start3A_97] : memref<10000x128xf32, #tpu.memory_space<hbm>> -> memref<10000x128xf32, #tpu.memory_space<hbm>>
        tpu.enqueue_indirect_dma source(%dma_start3A_98 : memref<10000x128xf32, #tpu.memory_space<hbm>>) target(%arg15 : memref<128x128xf32, #tpu.memory_space<vmem>>) offsets(%dma_start3A_95 : memref<128xi32, #tpu.memory_space<vmem>>) semaphore(%arg18 : memref<!tpu.dma_semaphore, #tpu.memory_space<semaphore_mem>>)
      } else {
      }
      %add3A_76 = arith.constant 1 : i32
      %add3A_77 = arith.addi %mul3A_67, %add3A_76 : i32
      %dma_wait3A_78 = arith.constant 0 : i32
      %dma_wait3A_79 = tpu.memref_slice %arg14[%add3A_77, %dma_wait3A_78] : memref<40x128xi32, #tpu.memory_space<vmem>> -> memref<1x128xi32, #tpu.memory_space<vmem>>
      %dma_wait3A_80 = tpu.memref_squeeze %dma_wait3A_79 : memref<1x128xi32, #tpu.memory_space<vmem>> -> memref<128xi32, #tpu.memory_space<vmem>>
      %dma_wait3A_81 = arith.constant 0 : i32
      %dma_wait3A_82 = arith.constant 0 : i32
      %dma_wait3A_83 = tpu.memref_slice %arg2[%dma_wait3A_81, %dma_wait3A_82] : memref<10000x128xf32, #tpu.memory_space<hbm>> -> memref<10000x128xf32, #tpu.memory_space<hbm>>
      tpu.wait_indirect_dma semaphore(%arg19 : memref<!tpu.dma_semaphore, #tpu.memory_space<semaphore_mem>>) src(%dma_wait3A_83 : memref<10000x128xf32, #tpu.memory_space<hbm>>) dst(%arg16 : memref<128x128xf32, #tpu.memory_space<vmem>>)
      %add3A_84 = arith.constant 1 : i32
      %add3A_85 = arith.addi %mul3A_67, %add3A_84 : i32
      "tpu.region"() ({
        %run_scoped3A = tpu.sem_alloc : memref<!tpu.dma_semaphore, #tpu.memory_space<semaphore_mem>>
        %dma_start3A_91 = arith.constant 0 : i32
        %dma_start3A_92 = tpu.memref_slice %arg13[%add3A_85, %dma_start3A_91] : memref<40x128xi32, #tpu.memory_space<vmem>> -> memref<1x128xi32, #tpu.memory_space<vmem>>
        %dma_start3A_93 = tpu.memref_squeeze %dma_start3A_92 : memref<1x128xi32, #tpu.memory_space<vmem>> -> memref<128xi32, #tpu.memory_space<vmem>>
        %dma_start3A_94 = arith.constant 0 : i32
        %dma_start3A_95 = arith.constant 0 : i32
        %dma_start3A_96 = tpu.memref_slice %arg10[%dma_start3A_94, %dma_start3A_95] : memref<5120x128xf32, #tpu.memory_space<vmem_shared>> -> memref<5120x128xf32, #tpu.memory_space<vmem_shared>>
        tpu.enqueue_indirect_dma source(%arg16 : memref<128x128xf32, #tpu.memory_space<vmem>>) target(%dma_start3A_96 : memref<5120x128xf32, #tpu.memory_space<vmem_shared>>) offsets(%dma_start3A_93 : memref<128xi32, #tpu.memory_space<vmem>>) semaphore(%run_scoped3A : memref<!tpu.dma_semaphore, #tpu.memory_space<semaphore_mem>>) {add = true}
        %dma_wait3A_97 = arith.constant 0 : i32
        %dma_wait3A_98 = tpu.memref_slice %arg13[%add3A_85, %dma_wait3A_97] : memref<40x128xi32, #tpu.memory_space<vmem>> -> memref<1x128xi32, #tpu.memory_space<vmem>>
        %dma_wait3A_99 = tpu.memref_squeeze %dma_wait3A_98 : memref<1x128xi32, #tpu.memory_space<vmem>> -> memref<128xi32, #tpu.memory_space<vmem>>
        %dma_wait3A_100 = arith.constant 0 : i32
        %dma_wait3A_101 = arith.constant 0 : i32
        %dma_wait3A_102 = tpu.memref_slice %arg10[%dma_wait3A_100, %dma_wait3A_101] : memref<5120x128xf32, #tpu.memory_space<vmem_shared>> -> memref<5120x128xf32, #tpu.memory_space<vmem_shared>>
        tpu.wait_indirect_dma semaphore(%run_scoped3A : memref<!tpu.dma_semaphore, #tpu.memory_space<semaphore_mem>>) src(%arg16 : memref<128x128xf32, #tpu.memory_space<vmem>>) dst(%dma_wait3A_102 : memref<5120x128xf32, #tpu.memory_space<vmem_shared>>)
        tpu.yield
      }) : () -> ()
      %lt3A_86 = arith.constant 19 : i32
      %lt3A_87 = arith.cmpi slt, %scan3A_65, %lt3A_86 : i32
      %convert_element_type3A_88 = arith.extui %lt3A_87 : i1 to i32
      %cond3A_89 = arith.constant 0 : i32
      %cond3A_90 = arith.cmpi ne, %convert_element_type3A_88, %cond3A_89 : i32
      scf.if %cond3A_90 {
        %add3A_91 = arith.constant 3 : i32
        %add3A_92 = arith.addi %mul3A_67, %add3A_91 : i32
        %dma_start3A_93 = arith.constant 0 : i32
        %dma_start3A_94 = tpu.memref_slice %arg14[%add3A_92, %dma_start3A_93] : memref<40x128xi32, #tpu.memory_space<vmem>> -> memref<1x128xi32, #tpu.memory_space<vmem>>
        %dma_start3A_95 = tpu.memref_squeeze %dma_start3A_94 : memref<1x128xi32, #tpu.memory_space<vmem>> -> memref<128xi32, #tpu.memory_space<vmem>>
        %dma_start3A_96 = arith.constant 0 : i32
        %dma_start3A_97 = arith.constant 0 : i32
        %dma_start3A_98 = tpu.memref_slice %arg2[%dma_start3A_96, %dma_start3A_97] : memref<10000x128xf32, #tpu.memory_space<hbm>> -> memref<10000x128xf32, #tpu.memory_space<hbm>>
        tpu.enqueue_indirect_dma source(%dma_start3A_98 : memref<10000x128xf32, #tpu.memory_space<hbm>>) target(%arg16 : memref<128x128xf32, #tpu.memory_space<vmem>>) offsets(%dma_start3A_95 : memref<128xi32, #tpu.memory_space<vmem>>) semaphore(%arg19 : memref<!tpu.dma_semaphore, #tpu.memory_space<semaphore_mem>>)
      } else {
      }
    }
    %scan3A_28 = arith.constant 20 : i32
    %mul3A_29 = arith.constant 160 : i32
    %mul3A_30 = arith.muli %add3A, %mul3A_29 : i32
    %add3A_31 = arith.constant 0 : i32
    %add3A_32 = arith.addi %mul3A_30, %add3A_31 : i32
    "tpu.region"() ({
      %run_scoped3A = tpu.sem_alloc : memref<!tpu.dma_semaphore, #tpu.memory_space<semaphore_mem>>
      %dma_start3A_65 = tpu.memref_slice %arg4[%add3A_32] : memref<5120xi32, #tpu.memory_space<hbm>> -> memref<80xi32, #tpu.memory_space<hbm>>
      %dma_start3A_66 = tpu.memref_slice %arg4[%add3A_32] : memref<5120xi32, #tpu.memory_space<hbm>> -> memref<80xi32, #tpu.memory_space<hbm>>
      tpu.enqueue_dma source(%dma_start3A_66 : memref<80xi32, #tpu.memory_space<hbm>>) target(%arg17 : memref<80xi32, #tpu.memory_space<vmem>>) target_semaphore(%run_scoped3A : memref<!tpu.dma_semaphore, #tpu.memory_space<semaphore_mem>>)
      %dma_wait3A_67 = tpu.memref_slice %arg4[%add3A_32] : memref<5120xi32, #tpu.memory_space<hbm>> -> memref<80xi32, #tpu.memory_space<hbm>>
      %dma_wait3A_68 = tpu.memref_slice %arg4[%add3A_32] : memref<5120xi32, #tpu.memory_space<hbm>> -> memref<80xi32, #tpu.memory_space<hbm>>
      tpu.wait_dma2 semaphore(%run_scoped3A : memref<!tpu.dma_semaphore, #tpu.memory_space<semaphore_mem>>) src(%dma_wait3A_68 : memref<80xi32, #tpu.memory_space<hbm>>) dst(%arg17 : memref<80xi32, #tpu.memory_space<vmem>>)
      tpu.yield
    }) : () -> ()
    %dma_start3A_33 = arith.constant 0 : i32
    %dma_start3A_34 = arith.constant 0 : i32
    %dma_start3A_35 = tpu.memref_slice %arg15[%dma_start3A_33, %dma_start3A_34] : memref<128x128xf32, #tpu.memory_space<vmem>> -> memref<80x128xf32, #tpu.memory_space<vmem>>
    %dma_start3A_36 = arith.constant 0 : i32
    %dma_start3A_37 = arith.constant 0 : i32
    %dma_start3A_38 = tpu.memref_slice %arg3[%dma_start3A_36, %dma_start3A_37] : memref<10000x128xf32, #tpu.memory_space<hbm>> -> memref<10000x128xf32, #tpu.memory_space<hbm>>
    tpu.enqueue_indirect_dma source(%dma_start3A_38 : memref<10000x128xf32, #tpu.memory_space<hbm>>) target(%dma_start3A_35 : memref<80x128xf32, #tpu.memory_space<vmem>>) offsets(%arg17 : memref<80xi32, #tpu.memory_space<vmem>>) semaphore(%arg20 : memref<!tpu.dma_semaphore, #tpu.memory_space<semaphore_mem>>)
    %dma_wait3A = arith.constant 0 : i32
    %dma_wait3A_39 = arith.constant 0 : i32
    %dma_wait3A_40 = tpu.memref_slice %arg15[%dma_wait3A, %dma_wait3A_39] : memref<128x128xf32, #tpu.memory_space<vmem>> -> memref<80x128xf32, #tpu.memory_space<vmem>>
    %dma_wait3A_41 = arith.constant 0 : i32
    %dma_wait3A_42 = arith.constant 0 : i32
    %dma_wait3A_43 = tpu.memref_slice %arg3[%dma_wait3A_41, %dma_wait3A_42] : memref<10000x128xf32, #tpu.memory_space<hbm>> -> memref<10000x128xf32, #tpu.memory_space<hbm>>
    tpu.wait_indirect_dma semaphore(%arg20 : memref<!tpu.dma_semaphore, #tpu.memory_space<semaphore_mem>>) src(%dma_wait3A_43 : memref<10000x128xf32, #tpu.memory_space<hbm>>) dst(%dma_wait3A_40 : memref<80x128xf32, #tpu.memory_space<vmem>>)
    "tpu.region"() ({
      %run_scoped3A = tpu.sem_alloc : memref<!tpu.dma_semaphore, #tpu.memory_space<semaphore_mem>>
      %dma_start3A_65 = arith.constant 0 : i32
      %dma_start3A_66 = arith.constant 0 : i32
      %dma_start3A_67 = tpu.memref_slice %arg15[%dma_start3A_65, %dma_start3A_66] : memref<128x128xf32, #tpu.memory_space<vmem>> -> memref<80x128xf32, #tpu.memory_space<vmem>>
      %dma_start3A_68 = arith.constant 0 : i32
      %dma_start3A_69 = tpu.memref_slice %arg9[%add3A_32, %dma_start3A_68] : memref<5120x128xf32, #tpu.memory_space<hbm>> -> memref<80x128xf32, #tpu.memory_space<hbm>>
      %dma_start3A_70 = arith.constant 0 : i32
      %dma_start3A_71 = tpu.memref_slice %arg9[%add3A_32, %dma_start3A_70] : memref<5120x128xf32, #tpu.memory_space<hbm>> -> memref<80x128xf32, #tpu.memory_space<hbm>>
      %dma_start3A_72 = arith.constant 0 : i32
      %dma_start3A_73 = arith.constant 0 : i32
      %dma_start3A_74 = tpu.memref_slice %arg15[%dma_start3A_72, %dma_start3A_73] : memref<128x128xf32, #tpu.memory_space<vmem>> -> memref<80x128xf32, #tpu.memory_space<vmem>>
      tpu.enqueue_dma source(%dma_start3A_74 : memref<80x128xf32, #tpu.memory_space<vmem>>) target(%dma_start3A_71 : memref<80x128xf32, #tpu.memory_space<hbm>>) target_semaphore(%run_scoped3A : memref<!tpu.dma_semaphore, #tpu.memory_space<semaphore_mem>>)
      %dma_wait3A_75 = arith.constant 0 : i32
      %dma_wait3A_76 = arith.constant 0 : i32
      %dma_wait3A_77 = tpu.memref_slice %arg15[%dma_wait3A_75, %dma_wait3A_76] : memref<128x128xf32, #tpu.memory_space<vmem>> -> memref<80x128xf32, #tpu.memory_space<vmem>>
      %dma_wait3A_78 = arith.constant 0 : i32
      %dma_wait3A_79 = tpu.memref_slice %arg9[%add3A_32, %dma_wait3A_78] : memref<5120x128xf32, #tpu.memory_space<hbm>> -> memref<80x128xf32, #tpu.memory_space<hbm>>
      %dma_wait3A_80 = arith.constant 0 : i32
      %dma_wait3A_81 = tpu.memref_slice %arg9[%add3A_32, %dma_wait3A_80] : memref<5120x128xf32, #tpu.memory_space<hbm>> -> memref<80x128xf32, #tpu.memory_space<hbm>>
      %dma_wait3A_82 = arith.constant 0 : i32
      %dma_wait3A_83 = arith.constant 0 : i32
      %dma_wait3A_84 = tpu.memref_slice %arg15[%dma_wait3A_82, %dma_wait3A_83] : memref<128x128xf32, #tpu.memory_space<vmem>> -> memref<80x128xf32, #tpu.memory_space<vmem>>
      tpu.wait_dma2 semaphore(%run_scoped3A : memref<!tpu.dma_semaphore, #tpu.memory_space<semaphore_mem>>) src(%dma_wait3A_84 : memref<80x128xf32, #tpu.memory_space<vmem>>) dst(%dma_wait3A_81 : memref<80x128xf32, #tpu.memory_space<hbm>>)
      tpu.yield
    }) : () -> ()
    %mul3A_44 = arith.constant 160 : i32
    %mul3A_45 = arith.muli %add3A, %mul3A_44 : i32
    %add3A_46 = arith.constant 80 : i32
    %add3A_47 = arith.addi %mul3A_45, %add3A_46 : i32
    "tpu.region"() ({
      %run_scoped3A = tpu.sem_alloc : memref<!tpu.dma_semaphore, #tpu.memory_space<semaphore_mem>>
      %dma_start3A_65 = tpu.memref_slice %arg4[%add3A_47] : memref<5120xi32, #tpu.memory_space<hbm>> -> memref<80xi32, #tpu.memory_space<hbm>>
      %dma_start3A_66 = tpu.memref_slice %arg4[%add3A_47] : memref<5120xi32, #tpu.memory_space<hbm>> -> memref<80xi32, #tpu.memory_space<hbm>>
      tpu.enqueue_dma source(%dma_start3A_66 : memref<80xi32, #tpu.memory_space<hbm>>) target(%arg17 : memref<80xi32, #tpu.memory_space<vmem>>) target_semaphore(%run_scoped3A : memref<!tpu.dma_semaphore, #tpu.memory_space<semaphore_mem>>)
      %dma_wait3A_67 = tpu.memref_slice %arg4[%add3A_47] : memref<5120xi32, #tpu.memory_space<hbm>> -> memref<80xi32, #tpu.memory_space<hbm>>
      %dma_wait3A_68 = tpu.memref_slice %arg4[%add3A_47] : memref<5120xi32, #tpu.memory_space<hbm>> -> memref<80xi32, #tpu.memory_space<hbm>>
      tpu.wait_dma2 semaphore(%run_scoped3A : memref<!tpu.dma_semaphore, #tpu.memory_space<semaphore_mem>>) src(%dma_wait3A_68 : memref<80xi32, #tpu.memory_space<hbm>>) dst(%arg17 : memref<80xi32, #tpu.memory_space<vmem>>)
      tpu.yield
    }) : () -> ()
    %dma_start3A_48 = arith.constant 0 : i32
    %dma_start3A_49 = arith.constant 0 : i32
    %dma_start3A_50 = tpu.memref_slice %arg15[%dma_start3A_48, %dma_start3A_49] : memref<128x128xf32, #tpu.memory_space<vmem>> -> memref<80x128xf32, #tpu.memory_space<vmem>>
    %dma_start3A_51 = arith.constant 0 : i32
    %dma_start3A_52 = arith.constant 0 : i32
    %dma_start3A_53 = tpu.memref_slice %arg3[%dma_start3A_51, %dma_start3A_52] : memref<10000x128xf32, #tpu.memory_space<hbm>> -> memref<10000x128xf32, #tpu.memory_space<hbm>>
    tpu.enqueue_indirect_dma source(%dma_start3A_53 : memref<10000x128xf32, #tpu.memory_space<hbm>>) target(%dma_start3A_50 : memref<80x128xf32, #tpu.memory_space<vmem>>) offsets(%arg17 : memref<80xi32, #tpu.memory_space<vmem>>) semaphore(%arg20 : memref<!tpu.dma_semaphore, #tpu.memory_space<semaphore_mem>>)
    %dma_wait3A_54 = arith.constant 0 : i32
    %dma_wait3A_55 = arith.constant 0 : i32
    %dma_wait3A_56 = tpu.memref_slice %arg15[%dma_wait3A_54, %dma_wait3A_55] : memref<128x128xf32, #tpu.memory_space<vmem>> -> memref<80x128xf32, #tpu.memory_space<vmem>>
    %dma_wait3A_57 = arith.constant 0 : i32
    %dma_wait3A_58 = arith.constant 0 : i32
    %dma_wait3A_59 = tpu.memref_slice %arg3[%dma_wait3A_57, %dma_wait3A_58] : memref<10000x128xf32, #tpu.memory_space<hbm>> -> memref<10000x128xf32, #tpu.memory_space<hbm>>
    tpu.wait_indirect_dma semaphore(%arg20 : memref<!tpu.dma_semaphore, #tpu.memory_space<semaphore_mem>>) src(%dma_wait3A_59 : memref<10000x128xf32, #tpu.memory_space<hbm>>) dst(%dma_wait3A_56 : memref<80x128xf32, #tpu.memory_space<vmem>>)
    "tpu.region"() ({
      %run_scoped3A = tpu.sem_alloc : memref<!tpu.dma_semaphore, #tpu.memory_space<semaphore_mem>>
      %dma_start3A_65 = arith.constant 0 : i32
      %dma_start3A_66 = arith.constant 0 : i32
      %dma_start3A_67 = tpu.memref_slice %arg15[%dma_start3A_65, %dma_start3A_66] : memref<128x128xf32, #tpu.memory_space<vmem>> -> memref<80x128xf32, #tpu.memory_space<vmem>>
      %dma_start3A_68 = arith.constant 0 : i32
      %dma_start3A_69 = tpu.memref_slice %arg9[%add3A_47, %dma_start3A_68] : memref<5120x128xf32, #tpu.memory_space<hbm>> -> memref<80x128xf32, #tpu.memory_space<hbm>>
      %dma_start3A_70 = arith.constant 0 : i32
      %dma_start3A_71 = tpu.memref_slice %arg9[%add3A_47, %dma_start3A_70] : memref<5120x128xf32, #tpu.memory_space<hbm>> -> memref<80x128xf32, #tpu.memory_space<hbm>>
      %dma_start3A_72 = arith.constant 0 : i32
      %dma_start3A_73 = arith.constant 0 : i32
      %dma_start3A_74 = tpu.memref_slice %arg15[%dma_start3A_72, %dma_start3A_73] : memref<128x128xf32, #tpu.memory_space<vmem>> -> memref<80x128xf32, #tpu.memory_space<vmem>>
      tpu.enqueue_dma source(%dma_start3A_74 : memref<80x128xf32, #tpu.memory_space<vmem>>) target(%dma_start3A_71 : memref<80x128xf32, #tpu.memory_space<hbm>>) target_semaphore(%run_scoped3A : memref<!tpu.dma_semaphore, #tpu.memory_space<semaphore_mem>>)
      %dma_wait3A_75 = arith.constant 0 : i32
      %dma_wait3A_76 = arith.constant 0 : i32
      %dma_wait3A_77 = tpu.memref_slice %arg15[%dma_wait3A_75, %dma_wait3A_76] : memref<128x128xf32, #tpu.memory_space<vmem>> -> memref<80x128xf32, #tpu.memory_space<vmem>>
      %dma_wait3A_78 = arith.constant 0 : i32
      %dma_wait3A_79 = tpu.memref_slice %arg9[%add3A_47, %dma_wait3A_78] : memref<5120x128xf32, #tpu.memory_space<hbm>> -> memref<80x128xf32, #tpu.memory_space<hbm>>
      %dma_wait3A_80 = arith.constant 0 : i32
      %dma_wait3A_81 = tpu.memref_slice %arg9[%add3A_47, %dma_wait3A_80] : memref<5120x128xf32, #tpu.memory_space<hbm>> -> memref<80x128xf32, #tpu.memory_space<hbm>>
      %dma_wait3A_82 = arith.constant 0 : i32
      %dma_wait3A_83 = arith.constant 0 : i32
      %dma_wait3A_84 = tpu.memref_slice %arg15[%dma_wait3A_82, %dma_wait3A_83] : memref<128x128xf32, #tpu.memory_space<vmem>> -> memref<80x128xf32, #tpu.memory_space<vmem>>
      tpu.wait_dma2 semaphore(%run_scoped3A : memref<!tpu.dma_semaphore, #tpu.memory_space<semaphore_mem>>) src(%dma_wait3A_84 : memref<80x128xf32, #tpu.memory_space<vmem>>) dst(%dma_wait3A_81 : memref<80x128xf32, #tpu.memory_space<hbm>>)
      tpu.yield
    }) : () -> ()
    %barrier3A_60 = arith.constant 0 : index
    tpu.barrier barrier_id(%barrier3A_60)
    %mul3A_61 = arith.constant 320 : i32
    %mul3A_62 = arith.muli %arg1, %mul3A_61 : i32
    %mul3A_63 = arith.constant 320 : i32
    %mul3A_64 = arith.muli %arg1, %mul3A_63 : i32
    "tpu.region"() ({
      %run_scoped3A = tpu.sem_alloc : memref<!tpu.dma_semaphore, #tpu.memory_space<semaphore_mem>>
      %dma_start3A_65 = arith.constant 0 : i32
      %dma_start3A_66 = tpu.memref_slice %arg8[%arg0, %mul3A_64, %dma_start3A_65] : memref<2x5120x128xf32, #tpu.memory_space<hbm>> -> memref<1x320x128xf32, #tpu.memory_space<hbm>>
      %dma_start3A_67 = tpu.memref_squeeze %dma_start3A_66 : memref<1x320x128xf32, #tpu.memory_space<hbm>> -> memref<320x128xf32, #tpu.memory_space<hbm>>
      %dma_start3A_68 = arith.constant 0 : i32
      %dma_start3A_69 = tpu.memref_slice %arg10[%mul3A_62, %dma_start3A_68] : memref<5120x128xf32, #tpu.memory_space<vmem_shared>> -> memref<320x128xf32, #tpu.memory_space<vmem_shared>>
      tpu.enqueue_dma source(%dma_start3A_69 : memref<320x128xf32, #tpu.memory_space<vmem_shared>>) target(%dma_start3A_67 : memref<320x128xf32, #tpu.memory_space<hbm>>) target_semaphore(%run_scoped3A : memref<!tpu.dma_semaphore, #tpu.memory_space<semaphore_mem>>)
      %dma_wait3A_70 = arith.constant 0 : i32
      %dma_wait3A_71 = tpu.memref_slice %arg8[%arg0, %mul3A_64, %dma_wait3A_70] : memref<2x5120x128xf32, #tpu.memory_space<hbm>> -> memref<1x320x128xf32, #tpu.memory_space<hbm>>
      %dma_wait3A_72 = tpu.memref_squeeze %dma_wait3A_71 : memref<1x320x128xf32, #tpu.memory_space<hbm>> -> memref<320x128xf32, #tpu.memory_space<hbm>>
      %dma_wait3A_73 = arith.constant 0 : i32
      %dma_wait3A_74 = tpu.memref_slice %arg10[%mul3A_62, %dma_wait3A_73] : memref<5120x128xf32, #tpu.memory_space<vmem_shared>> -> memref<320x128xf32, #tpu.memory_space<vmem_shared>>
      tpu.wait_dma2 semaphore(%run_scoped3A : memref<!tpu.dma_semaphore, #tpu.memory_space<semaphore_mem>>) src(%dma_wait3A_74 : memref<320x128xf32, #tpu.memory_space<vmem_shared>>) dst(%dma_wait3A_72 : memref<320x128xf32, #tpu.memory_space<hbm>>)
      tpu.yield
    }) : () -> ()
    return
  }
}

#map = affine_map<(d0, d1) -> (0, 0)>
#map1 = affine_map<(d0, d1) -> (0, 0, 0)>
#map2 = affine_map<(d0, d1) -> (0)>
module attributes {stable_mosaic.version = 14 : i64} {
  func.func @_sc_fine(%arg0: i32, %arg1: i32, %arg2: memref<10000x128xf32, #tpu.memory_space<hbm>>, %arg3: memref<32x80x128xi32, #tpu.memory_space<hbm>>, %arg4: memref<32x80x128xi32, #tpu.memory_space<hbm>>, %arg5: memref<5120xi32, #tpu.memory_space<hbm>>, %arg6: memref<10112x128xf32, #tpu.memory_space<hbm>>, %arg7: memref<2x10112x128xf32, #tpu.memory_space<hbm>>, %arg8: memref<5120x128xf32, #tpu.memory_space<hbm>>, %arg9: memref<10112x128xf32, #tpu.memory_space<vmem_shared>>, %arg10: memref<40x128xi32, #tpu.memory_space<vmem>>, %arg11: memref<40x128xi32, #tpu.memory_space<vmem>>, %arg12: memref<128x128xf32, #tpu.memory_space<vmem>>, %arg13: memref<128x128xf32, #tpu.memory_space<vmem>>, %arg14: memref<80xi32, #tpu.memory_space<vmem>>, %arg15: memref<!tpu.dma_semaphore, #tpu.memory_space<semaphore_mem>>, %arg16: memref<!tpu.dma_semaphore, #tpu.memory_space<semaphore_mem>>, %arg17: memref<!tpu.dma_semaphore, #tpu.memory_space<semaphore_mem>>) attributes {dimension_semantics = [#tpu.dimension_semantics<core_parallel>, #tpu.dimension_semantics<subcore_parallel>], iteration_bounds = array<i64: 2, 16>, scalar_prefetch = 0 : i64, scratch_operands = 9 : i64, tpu.core_type = #tpu.core_type<sc_vector_subcore>, window_params = [{transform_indices = #map}, {transform_indices = #map1}, {transform_indices = #map1}, {transform_indices = #map2}, {transform_indices = #map}, {transform_indices = #map1}, {transform_indices = #map}]} {
    %mul3A = arith.constant 16 : i32
    %mul3A_0 = arith.muli %arg0, %mul3A : i32
    %add3A = arith.addi %mul3A_0, %arg1 : i32
    %mul3A_1 = arith.constant 632 : i32
    %mul3A_2 = arith.muli %arg1, %mul3A_1 : i32
    %mul3A_3 = arith.constant 632 : i32
    %mul3A_4 = arith.muli %arg1, %mul3A_3 : i32
    "tpu.region"() ({
      %run_scoped3A = tpu.sem_alloc : memref<!tpu.dma_semaphore, #tpu.memory_space<semaphore_mem>>
      %dma_start3A_79 = arith.constant 0 : i32
      %dma_start3A_80 = tpu.memref_slice %arg9[%mul3A_4, %dma_start3A_79] : memref<10112x128xf32, #tpu.memory_space<vmem_shared>> -> memref<632x128xf32, #tpu.memory_space<vmem_shared>>
      %dma_start3A_81 = arith.constant 0 : i32
      %dma_start3A_82 = tpu.memref_slice %arg6[%mul3A_2, %dma_start3A_81] : memref<10112x128xf32, #tpu.memory_space<hbm>> -> memref<632x128xf32, #tpu.memory_space<hbm>>
      tpu.enqueue_dma source(%dma_start3A_82 : memref<632x128xf32, #tpu.memory_space<hbm>>) target(%dma_start3A_80 : memref<632x128xf32, #tpu.memory_space<vmem_shared>>) target_semaphore(%run_scoped3A : memref<!tpu.dma_semaphore, #tpu.memory_space<semaphore_mem>>)
      %dma_wait3A_83 = arith.constant 0 : i32
      %dma_wait3A_84 = tpu.memref_slice %arg9[%mul3A_4, %dma_wait3A_83] : memref<10112x128xf32, #tpu.memory_space<vmem_shared>> -> memref<632x128xf32, #tpu.memory_space<vmem_shared>>
      %dma_wait3A_85 = arith.constant 0 : i32
      %dma_wait3A_86 = tpu.memref_slice %arg6[%mul3A_2, %dma_wait3A_85] : memref<10112x128xf32, #tpu.memory_space<hbm>> -> memref<632x128xf32, #tpu.memory_space<hbm>>
      tpu.wait_dma2 semaphore(%run_scoped3A : memref<!tpu.dma_semaphore, #tpu.memory_space<semaphore_mem>>) src(%dma_wait3A_86 : memref<632x128xf32, #tpu.memory_space<hbm>>) dst(%dma_wait3A_84 : memref<632x128xf32, #tpu.memory_space<vmem_shared>>)
      tpu.yield
    }) : () -> ()
    %barrier3A = arith.constant 0 : index
    tpu.barrier barrier_id(%barrier3A)
    "tpu.region"() ({
      %run_scoped3A = tpu.sem_alloc : memref<!tpu.dma_semaphore, #tpu.memory_space<semaphore_mem>>
      %dma_start3A_79 = arith.constant 0 : i32
      %dma_start3A_80 = arith.constant 0 : i32
      %dma_start3A_81 = tpu.memref_slice %arg3[%add3A, %dma_start3A_79, %dma_start3A_80] : memref<32x80x128xi32, #tpu.memory_space<hbm>> -> memref<1x40x128xi32, #tpu.memory_space<hbm>>
      %dma_start3A_82 = tpu.memref_squeeze %dma_start3A_81 : memref<1x40x128xi32, #tpu.memory_space<hbm>> -> memref<40x128xi32, #tpu.memory_space<hbm>>
      %dma_start3A_83 = arith.constant 0 : i32
      %dma_start3A_84 = arith.constant 0 : i32
      %dma_start3A_85 = tpu.memref_slice %arg3[%add3A, %dma_start3A_83, %dma_start3A_84] : memref<32x80x128xi32, #tpu.memory_space<hbm>> -> memref<1x40x128xi32, #tpu.memory_space<hbm>>
      %dma_start3A_86 = tpu.memref_squeeze %dma_start3A_85 : memref<1x40x128xi32, #tpu.memory_space<hbm>> -> memref<40x128xi32, #tpu.memory_space<hbm>>
      tpu.enqueue_dma source(%dma_start3A_86 : memref<40x128xi32, #tpu.memory_space<hbm>>) target(%arg10 : memref<40x128xi32, #tpu.memory_space<vmem>>) target_semaphore(%run_scoped3A : memref<!tpu.dma_semaphore, #tpu.memory_space<semaphore_mem>>)
      %dma_wait3A_87 = arith.constant 0 : i32
      %dma_wait3A_88 = arith.constant 0 : i32
      %dma_wait3A_89 = tpu.memref_slice %arg3[%add3A, %dma_wait3A_87, %dma_wait3A_88] : memref<32x80x128xi32, #tpu.memory_space<hbm>> -> memref<1x40x128xi32, #tpu.memory_space<hbm>>
      %dma_wait3A_90 = tpu.memref_squeeze %dma_wait3A_89 : memref<1x40x128xi32, #tpu.memory_space<hbm>> -> memref<40x128xi32, #tpu.memory_space<hbm>>
      %dma_wait3A_91 = arith.constant 0 : i32
      %dma_wait3A_92 = arith.constant 0 : i32
      %dma_wait3A_93 = tpu.memref_slice %arg3[%add3A, %dma_wait3A_91, %dma_wait3A_92] : memref<32x80x128xi32, #tpu.memory_space<hbm>> -> memref<1x40x128xi32, #tpu.memory_space<hbm>>
      %dma_wait3A_94 = tpu.memref_squeeze %dma_wait3A_93 : memref<1x40x128xi32, #tpu.memory_space<hbm>> -> memref<40x128xi32, #tpu.memory_space<hbm>>
      tpu.wait_dma2 semaphore(%run_scoped3A : memref<!tpu.dma_semaphore, #tpu.memory_space<semaphore_mem>>) src(%dma_wait3A_94 : memref<40x128xi32, #tpu.memory_space<hbm>>) dst(%arg10 : memref<40x128xi32, #tpu.memory_space<vmem>>)
      tpu.yield
    }) : () -> ()
    "tpu.region"() ({
      %run_scoped3A = tpu.sem_alloc : memref<!tpu.dma_semaphore, #tpu.memory_space<semaphore_mem>>
      %dma_start3A_79 = arith.constant 0 : i32
      %dma_start3A_80 = arith.constant 0 : i32
      %dma_start3A_81 = tpu.memref_slice %arg4[%add3A, %dma_start3A_79, %dma_start3A_80] : memref<32x80x128xi32, #tpu.memory_space<hbm>> -> memref<1x40x128xi32, #tpu.memory_space<hbm>>
      %dma_start3A_82 = tpu.memref_squeeze %dma_start3A_81 : memref<1x40x128xi32, #tpu.memory_space<hbm>> -> memref<40x128xi32, #tpu.memory_space<hbm>>
      %dma_start3A_83 = arith.constant 0 : i32
      %dma_start3A_84 = arith.constant 0 : i32
      %dma_start3A_85 = tpu.memref_slice %arg4[%add3A, %dma_start3A_83, %dma_start3A_84] : memref<32x80x128xi32, #tpu.memory_space<hbm>> -> memref<1x40x128xi32, #tpu.memory_space<hbm>>
      %dma_start3A_86 = tpu.memref_squeeze %dma_start3A_85 : memref<1x40x128xi32, #tpu.memory_space<hbm>> -> memref<40x128xi32, #tpu.memory_space<hbm>>
      tpu.enqueue_dma source(%dma_start3A_86 : memref<40x128xi32, #tpu.memory_space<hbm>>) target(%arg11 : memref<40x128xi32, #tpu.memory_space<vmem>>) target_semaphore(%run_scoped3A : memref<!tpu.dma_semaphore, #tpu.memory_space<semaphore_mem>>)
      %dma_wait3A_87 = arith.constant 0 : i32
      %dma_wait3A_88 = arith.constant 0 : i32
      %dma_wait3A_89 = tpu.memref_slice %arg4[%add3A, %dma_wait3A_87, %dma_wait3A_88] : memref<32x80x128xi32, #tpu.memory_space<hbm>> -> memref<1x40x128xi32, #tpu.memory_space<hbm>>
      %dma_wait3A_90 = tpu.memref_squeeze %dma_wait3A_89 : memref<1x40x128xi32, #tpu.memory_space<hbm>> -> memref<40x128xi32, #tpu.memory_space<hbm>>
      %dma_wait3A_91 = arith.constant 0 : i32
      %dma_wait3A_92 = arith.constant 0 : i32
      %dma_wait3A_93 = tpu.memref_slice %arg4[%add3A, %dma_wait3A_91, %dma_wait3A_92] : memref<32x80x128xi32, #tpu.memory_space<hbm>> -> memref<1x40x128xi32, #tpu.memory_space<hbm>>
      %dma_wait3A_94 = tpu.memref_squeeze %dma_wait3A_93 : memref<1x40x128xi32, #tpu.memory_space<hbm>> -> memref<40x128xi32, #tpu.memory_space<hbm>>
      tpu.wait_dma2 semaphore(%run_scoped3A : memref<!tpu.dma_semaphore, #tpu.memory_space<semaphore_mem>>) src(%dma_wait3A_94 : memref<40x128xi32, #tpu.memory_space<hbm>>) dst(%arg11 : memref<40x128xi32, #tpu.memory_space<vmem>>)
      tpu.yield
    }) : () -> ()
    %dma_start3A = arith.constant 0 : i32
    %dma_start3A_5 = arith.constant 0 : i32
    %dma_start3A_6 = tpu.memref_slice %arg10[%dma_start3A, %dma_start3A_5] : memref<40x128xi32, #tpu.memory_space<vmem>> -> memref<1x128xi32, #tpu.memory_space<vmem>>
    %dma_start3A_7 = tpu.memref_squeeze %dma_start3A_6 : memref<1x128xi32, #tpu.memory_space<vmem>> -> memref<128xi32, #tpu.memory_space<vmem>>
    %dma_start3A_8 = arith.constant 0 : i32
    %dma_start3A_9 = arith.constant 0 : i32
    %dma_start3A_10 = tpu.memref_slice %arg2[%dma_start3A_8, %dma_start3A_9] : memref<10000x128xf32, #tpu.memory_space<hbm>> -> memref<10000x128xf32, #tpu.memory_space<hbm>>
    tpu.enqueue_indirect_dma source(%dma_start3A_10 : memref<10000x128xf32, #tpu.memory_space<hbm>>) target(%arg12 : memref<128x128xf32, #tpu.memory_space<vmem>>) offsets(%dma_start3A_7 : memref<128xi32, #tpu.memory_space<vmem>>) semaphore(%arg15 : memref<!tpu.dma_semaphore, #tpu.memory_space<semaphore_mem>>)
    %dma_start3A_11 = arith.constant 1 : i32
    %dma_start3A_12 = arith.constant 0 : i32
    %dma_start3A_13 = tpu.memref_slice %arg10[%dma_start3A_11, %dma_start3A_12] : memref<40x128xi32, #tpu.memory_space<vmem>> -> memref<1x128xi32, #tpu.memory_space<vmem>>
    %dma_start3A_14 = tpu.memref_squeeze %dma_start3A_13 : memref<1x128xi32, #tpu.memory_space<vmem>> -> memref<128xi32, #tpu.memory_space<vmem>>
    %dma_start3A_15 = arith.constant 0 : i32
    %dma_start3A_16 = arith.constant 0 : i32
    %dma_start3A_17 = tpu.memref_slice %arg2[%dma_start3A_15, %dma_start3A_16] : memref<10000x128xf32, #tpu.memory_space<hbm>> -> memref<10000x128xf32, #tpu.memory_space<hbm>>
    tpu.enqueue_indirect_dma source(%dma_start3A_17 : memref<10000x128xf32, #tpu.memory_space<hbm>>) target(%arg13 : memref<128x128xf32, #tpu.memory_space<vmem>>) offsets(%dma_start3A_14 : memref<128xi32, #tpu.memory_space<vmem>>) semaphore(%arg16 : memref<!tpu.dma_semaphore, #tpu.memory_space<semaphore_mem>>)
    %scan3A = arith.constant 0 : i32
    %scan3A_18 = arith.constant 0 : i32
    %scan3A_19 = arith.constant 20 : i32
    %scan3A_20 = arith.addi %scan3A_18, %scan3A_19 : i32
    %scan3A_21 = arith.constant 1 : i32
    scf.for %scan3A_79 = %scan3A_18 to %scan3A_20 step %scan3A_21  : i32 {
      %mul3A_80 = arith.constant 2 : i32
      %mul3A_81 = arith.muli %mul3A_80, %scan3A_79 : i32
      %dma_wait3A_82 = arith.constant 0 : i32
      %dma_wait3A_83 = tpu.memref_slice %arg10[%mul3A_81, %dma_wait3A_82] : memref<40x128xi32, #tpu.memory_space<vmem>> -> memref<1x128xi32, #tpu.memory_space<vmem>>
      %dma_wait3A_84 = tpu.memref_squeeze %dma_wait3A_83 : memref<1x128xi32, #tpu.memory_space<vmem>> -> memref<128xi32, #tpu.memory_space<vmem>>
      %dma_wait3A_85 = arith.constant 0 : i32
      %dma_wait3A_86 = arith.constant 0 : i32
      %dma_wait3A_87 = tpu.memref_slice %arg2[%dma_wait3A_85, %dma_wait3A_86] : memref<10000x128xf32, #tpu.memory_space<hbm>> -> memref<10000x128xf32, #tpu.memory_space<hbm>>
      tpu.wait_indirect_dma semaphore(%arg15 : memref<!tpu.dma_semaphore, #tpu.memory_space<semaphore_mem>>) src(%dma_wait3A_87 : memref<10000x128xf32, #tpu.memory_space<hbm>>) dst(%arg12 : memref<128x128xf32, #tpu.memory_space<vmem>>)
      "tpu.region"() ({
        %run_scoped3A = tpu.sem_alloc : memref<!tpu.dma_semaphore, #tpu.memory_space<semaphore_mem>>
        %dma_start3A_105 = arith.constant 0 : i32
        %dma_start3A_106 = tpu.memref_slice %arg11[%mul3A_81, %dma_start3A_105] : memref<40x128xi32, #tpu.memory_space<vmem>> -> memref<1x128xi32, #tpu.memory_space<vmem>>
        %dma_start3A_107 = tpu.memref_squeeze %dma_start3A_106 : memref<1x128xi32, #tpu.memory_space<vmem>> -> memref<128xi32, #tpu.memory_space<vmem>>
        %dma_start3A_108 = arith.constant 0 : i32
        %dma_start3A_109 = arith.constant 0 : i32
        %dma_start3A_110 = tpu.memref_slice %arg9[%dma_start3A_108, %dma_start3A_109] : memref<10112x128xf32, #tpu.memory_space<vmem_shared>> -> memref<10112x128xf32, #tpu.memory_space<vmem_shared>>
        tpu.enqueue_indirect_dma source(%arg12 : memref<128x128xf32, #tpu.memory_space<vmem>>) target(%dma_start3A_110 : memref<10112x128xf32, #tpu.memory_space<vmem_shared>>) offsets(%dma_start3A_107 : memref<128xi32, #tpu.memory_space<vmem>>) semaphore(%run_scoped3A : memref<!tpu.dma_semaphore, #tpu.memory_space<semaphore_mem>>) {add = true}
        %dma_wait3A_111 = arith.constant 0 : i32
        %dma_wait3A_112 = tpu.memref_slice %arg11[%mul3A_81, %dma_wait3A_111] : memref<40x128xi32, #tpu.memory_space<vmem>> -> memref<1x128xi32, #tpu.memory_space<vmem>>
        %dma_wait3A_113 = tpu.memref_squeeze %dma_wait3A_112 : memref<1x128xi32, #tpu.memory_space<vmem>> -> memref<128xi32, #tpu.memory_space<vmem>>
        %dma_wait3A_114 = arith.constant 0 : i32
        %dma_wait3A_115 = arith.constant 0 : i32
        %dma_wait3A_116 = tpu.memref_slice %arg9[%dma_wait3A_114, %dma_wait3A_115] : memref<10112x128xf32, #tpu.memory_space<vmem_shared>> -> memref<10112x128xf32, #tpu.memory_space<vmem_shared>>
        tpu.wait_indirect_dma semaphore(%run_scoped3A : memref<!tpu.dma_semaphore, #tpu.memory_space<semaphore_mem>>) src(%arg12 : memref<128x128xf32, #tpu.memory_space<vmem>>) dst(%dma_wait3A_116 : memref<10112x128xf32, #tpu.memory_space<vmem_shared>>)
        tpu.yield
      }) : () -> ()
      %lt3A = arith.constant 19 : i32
      %lt3A_88 = arith.cmpi slt, %scan3A_79, %lt3A : i32
      %convert_element_type3A = arith.extui %lt3A_88 : i1 to i32
      %cond3A = arith.constant 0 : i32
      %cond3A_89 = arith.cmpi ne, %convert_element_type3A, %cond3A : i32
      scf.if %cond3A_89 {
        %add3A_105 = arith.constant 2 : i32
        %add3A_106 = arith.addi %mul3A_81, %add3A_105 : i32
        %dma_start3A_107 = arith.constant 0 : i32
        %dma_start3A_108 = tpu.memref_slice %arg10[%add3A_106, %dma_start3A_107] : memref<40x128xi32, #tpu.memory_space<vmem>> -> memref<1x128xi32, #tpu.memory_space<vmem>>
        %dma_start3A_109 = tpu.memref_squeeze %dma_start3A_108 : memref<1x128xi32, #tpu.memory_space<vmem>> -> memref<128xi32, #tpu.memory_space<vmem>>
        %dma_start3A_110 = arith.constant 0 : i32
        %dma_start3A_111 = arith.constant 0 : i32
        %dma_start3A_112 = tpu.memref_slice %arg2[%dma_start3A_110, %dma_start3A_111] : memref<10000x128xf32, #tpu.memory_space<hbm>> -> memref<10000x128xf32, #tpu.memory_space<hbm>>
        tpu.enqueue_indirect_dma source(%dma_start3A_112 : memref<10000x128xf32, #tpu.memory_space<hbm>>) target(%arg12 : memref<128x128xf32, #tpu.memory_space<vmem>>) offsets(%dma_start3A_109 : memref<128xi32, #tpu.memory_space<vmem>>) semaphore(%arg15 : memref<!tpu.dma_semaphore, #tpu.memory_space<semaphore_mem>>)
      } else {
      }
      %add3A_90 = arith.constant 1 : i32
      %add3A_91 = arith.addi %mul3A_81, %add3A_90 : i32
      %dma_wait3A_92 = arith.constant 0 : i32
      %dma_wait3A_93 = tpu.memref_slice %arg10[%add3A_91, %dma_wait3A_92] : memref<40x128xi32, #tpu.memory_space<vmem>> -> memref<1x128xi32, #tpu.memory_space<vmem>>
      %dma_wait3A_94 = tpu.memref_squeeze %dma_wait3A_93 : memref<1x128xi32, #tpu.memory_space<vmem>> -> memref<128xi32, #tpu.memory_space<vmem>>
      %dma_wait3A_95 = arith.constant 0 : i32
      %dma_wait3A_96 = arith.constant 0 : i32
      %dma_wait3A_97 = tpu.memref_slice %arg2[%dma_wait3A_95, %dma_wait3A_96] : memref<10000x128xf32, #tpu.memory_space<hbm>> -> memref<10000x128xf32, #tpu.memory_space<hbm>>
      tpu.wait_indirect_dma semaphore(%arg16 : memref<!tpu.dma_semaphore, #tpu.memory_space<semaphore_mem>>) src(%dma_wait3A_97 : memref<10000x128xf32, #tpu.memory_space<hbm>>) dst(%arg13 : memref<128x128xf32, #tpu.memory_space<vmem>>)
      %add3A_98 = arith.constant 1 : i32
      %add3A_99 = arith.addi %mul3A_81, %add3A_98 : i32
      "tpu.region"() ({
        %run_scoped3A = tpu.sem_alloc : memref<!tpu.dma_semaphore, #tpu.memory_space<semaphore_mem>>
        %dma_start3A_105 = arith.constant 0 : i32
        %dma_start3A_106 = tpu.memref_slice %arg11[%add3A_99, %dma_start3A_105] : memref<40x128xi32, #tpu.memory_space<vmem>> -> memref<1x128xi32, #tpu.memory_space<vmem>>
        %dma_start3A_107 = tpu.memref_squeeze %dma_start3A_106 : memref<1x128xi32, #tpu.memory_space<vmem>> -> memref<128xi32, #tpu.memory_space<vmem>>
        %dma_start3A_108 = arith.constant 0 : i32
        %dma_start3A_109 = arith.constant 0 : i32
        %dma_start3A_110 = tpu.memref_slice %arg9[%dma_start3A_108, %dma_start3A_109] : memref<10112x128xf32, #tpu.memory_space<vmem_shared>> -> memref<10112x128xf32, #tpu.memory_space<vmem_shared>>
        tpu.enqueue_indirect_dma source(%arg13 : memref<128x128xf32, #tpu.memory_space<vmem>>) target(%dma_start3A_110 : memref<10112x128xf32, #tpu.memory_space<vmem_shared>>) offsets(%dma_start3A_107 : memref<128xi32, #tpu.memory_space<vmem>>) semaphore(%run_scoped3A : memref<!tpu.dma_semaphore, #tpu.memory_space<semaphore_mem>>) {add = true}
        %dma_wait3A_111 = arith.constant 0 : i32
        %dma_wait3A_112 = tpu.memref_slice %arg11[%add3A_99, %dma_wait3A_111] : memref<40x128xi32, #tpu.memory_space<vmem>> -> memref<1x128xi32, #tpu.memory_space<vmem>>
        %dma_wait3A_113 = tpu.memref_squeeze %dma_wait3A_112 : memref<1x128xi32, #tpu.memory_space<vmem>> -> memref<128xi32, #tpu.memory_space<vmem>>
        %dma_wait3A_114 = arith.constant 0 : i32
        %dma_wait3A_115 = arith.constant 0 : i32
        %dma_wait3A_116 = tpu.memref_slice %arg9[%dma_wait3A_114, %dma_wait3A_115] : memref<10112x128xf32, #tpu.memory_space<vmem_shared>> -> memref<10112x128xf32, #tpu.memory_space<vmem_shared>>
        tpu.wait_indirect_dma semaphore(%run_scoped3A : memref<!tpu.dma_semaphore, #tpu.memory_space<semaphore_mem>>) src(%arg13 : memref<128x128xf32, #tpu.memory_space<vmem>>) dst(%dma_wait3A_116 : memref<10112x128xf32, #tpu.memory_space<vmem_shared>>)
        tpu.yield
      }) : () -> ()
      %lt3A_100 = arith.constant 19 : i32
      %lt3A_101 = arith.cmpi slt, %scan3A_79, %lt3A_100 : i32
      %convert_element_type3A_102 = arith.extui %lt3A_101 : i1 to i32
      %cond3A_103 = arith.constant 0 : i32
      %cond3A_104 = arith.cmpi ne, %convert_element_type3A_102, %cond3A_103 : i32
      scf.if %cond3A_104 {
        %add3A_105 = arith.constant 3 : i32
        %add3A_106 = arith.addi %mul3A_81, %add3A_105 : i32
        %dma_start3A_107 = arith.constant 0 : i32
        %dma_start3A_108 = tpu.memref_slice %arg10[%add3A_106, %dma_start3A_107] : memref<40x128xi32, #tpu.memory_space<vmem>> -> memref<1x128xi32, #tpu.memory_space<vmem>>
        %dma_start3A_109 = tpu.memref_squeeze %dma_start3A_108 : memref<1x128xi32, #tpu.memory_space<vmem>> -> memref<128xi32, #tpu.memory_space<vmem>>
        %dma_start3A_110 = arith.constant 0 : i32
        %dma_start3A_111 = arith.constant 0 : i32
        %dma_start3A_112 = tpu.memref_slice %arg2[%dma_start3A_110, %dma_start3A_111] : memref<10000x128xf32, #tpu.memory_space<hbm>> -> memref<10000x128xf32, #tpu.memory_space<hbm>>
        tpu.enqueue_indirect_dma source(%dma_start3A_112 : memref<10000x128xf32, #tpu.memory_space<hbm>>) target(%arg13 : memref<128x128xf32, #tpu.memory_space<vmem>>) offsets(%dma_start3A_109 : memref<128xi32, #tpu.memory_space<vmem>>) semaphore(%arg16 : memref<!tpu.dma_semaphore, #tpu.memory_space<semaphore_mem>>)
      } else {
      }
    }
    %scan3A_22 = arith.constant 20 : i32
    "tpu.region"() ({
      %run_scoped3A = tpu.sem_alloc : memref<!tpu.dma_semaphore, #tpu.memory_space<semaphore_mem>>
      %dma_start3A_79 = arith.constant 40 : i32
      %dma_start3A_80 = arith.constant 0 : i32
      %dma_start3A_81 = tpu.memref_slice %arg3[%add3A, %dma_start3A_79, %dma_start3A_80] : memref<32x80x128xi32, #tpu.memory_space<hbm>> -> memref<1x40x128xi32, #tpu.memory_space<hbm>>
      %dma_start3A_82 = tpu.memref_squeeze %dma_start3A_81 : memref<1x40x128xi32, #tpu.memory_space<hbm>> -> memref<40x128xi32, #tpu.memory_space<hbm>>
      %dma_start3A_83 = arith.constant 40 : i32
      %dma_start3A_84 = arith.constant 0 : i32
      %dma_start3A_85 = tpu.memref_slice %arg3[%add3A, %dma_start3A_83, %dma_start3A_84] : memref<32x80x128xi32, #tpu.memory_space<hbm>> -> memref<1x40x128xi32, #tpu.memory_space<hbm>>
      %dma_start3A_86 = tpu.memref_squeeze %dma_start3A_85 : memref<1x40x128xi32, #tpu.memory_space<hbm>> -> memref<40x128xi32, #tpu.memory_space<hbm>>
      tpu.enqueue_dma source(%dma_start3A_86 : memref<40x128xi32, #tpu.memory_space<hbm>>) target(%arg10 : memref<40x128xi32, #tpu.memory_space<vmem>>) target_semaphore(%run_scoped3A : memref<!tpu.dma_semaphore, #tpu.memory_space<semaphore_mem>>)
      %dma_wait3A_87 = arith.constant 40 : i32
      %dma_wait3A_88 = arith.constant 0 : i32
      %dma_wait3A_89 = tpu.memref_slice %arg3[%add3A, %dma_wait3A_87, %dma_wait3A_88] : memref<32x80x128xi32, #tpu.memory_space<hbm>> -> memref<1x40x128xi32, #tpu.memory_space<hbm>>
      %dma_wait3A_90 = tpu.memref_squeeze %dma_wait3A_89 : memref<1x40x128xi32, #tpu.memory_space<hbm>> -> memref<40x128xi32, #tpu.memory_space<hbm>>
      %dma_wait3A_91 = arith.constant 40 : i32
      %dma_wait3A_92 = arith.constant 0 : i32
      %dma_wait3A_93 = tpu.memref_slice %arg3[%add3A, %dma_wait3A_91, %dma_wait3A_92] : memref<32x80x128xi32, #tpu.memory_space<hbm>> -> memref<1x40x128xi32, #tpu.memory_space<hbm>>
      %dma_wait3A_94 = tpu.memref_squeeze %dma_wait3A_93 : memref<1x40x128xi32, #tpu.memory_space<hbm>> -> memref<40x128xi32, #tpu.memory_space<hbm>>
      tpu.wait_dma2 semaphore(%run_scoped3A : memref<!tpu.dma_semaphore, #tpu.memory_space<semaphore_mem>>) src(%dma_wait3A_94 : memref<40x128xi32, #tpu.memory_space<hbm>>) dst(%arg10 : memref<40x128xi32, #tpu.memory_space<vmem>>)
      tpu.yield
    }) : () -> ()
    "tpu.region"() ({
      %run_scoped3A = tpu.sem_alloc : memref<!tpu.dma_semaphore, #tpu.memory_space<semaphore_mem>>
      %dma_start3A_79 = arith.constant 40 : i32
      %dma_start3A_80 = arith.constant 0 : i32
      %dma_start3A_81 = tpu.memref_slice %arg4[%add3A, %dma_start3A_79, %dma_start3A_80] : memref<32x80x128xi32, #tpu.memory_space<hbm>> -> memref<1x40x128xi32, #tpu.memory_space<hbm>>
      %dma_start3A_82 = tpu.memref_squeeze %dma_start3A_81 : memref<1x40x128xi32, #tpu.memory_space<hbm>> -> memref<40x128xi32, #tpu.memory_space<hbm>>
      %dma_start3A_83 = arith.constant 40 : i32
      %dma_start3A_84 = arith.constant 0 : i32
      %dma_start3A_85 = tpu.memref_slice %arg4[%add3A, %dma_start3A_83, %dma_start3A_84] : memref<32x80x128xi32, #tpu.memory_space<hbm>> -> memref<1x40x128xi32, #tpu.memory_space<hbm>>
      %dma_start3A_86 = tpu.memref_squeeze %dma_start3A_85 : memref<1x40x128xi32, #tpu.memory_space<hbm>> -> memref<40x128xi32, #tpu.memory_space<hbm>>
      tpu.enqueue_dma source(%dma_start3A_86 : memref<40x128xi32, #tpu.memory_space<hbm>>) target(%arg11 : memref<40x128xi32, #tpu.memory_space<vmem>>) target_semaphore(%run_scoped3A : memref<!tpu.dma_semaphore, #tpu.memory_space<semaphore_mem>>)
      %dma_wait3A_87 = arith.constant 40 : i32
      %dma_wait3A_88 = arith.constant 0 : i32
      %dma_wait3A_89 = tpu.memref_slice %arg4[%add3A, %dma_wait3A_87, %dma_wait3A_88] : memref<32x80x128xi32, #tpu.memory_space<hbm>> -> memref<1x40x128xi32, #tpu.memory_space<hbm>>
      %dma_wait3A_90 = tpu.memref_squeeze %dma_wait3A_89 : memref<1x40x128xi32, #tpu.memory_space<hbm>> -> memref<40x128xi32, #tpu.memory_space<hbm>>
      %dma_wait3A_91 = arith.constant 40 : i32
      %dma_wait3A_92 = arith.constant 0 : i32
      %dma_wait3A_93 = tpu.memref_slice %arg4[%add3A, %dma_wait3A_91, %dma_wait3A_92] : memref<32x80x128xi32, #tpu.memory_space<hbm>> -> memref<1x40x128xi32, #tpu.memory_space<hbm>>
      %dma_wait3A_94 = tpu.memref_squeeze %dma_wait3A_93 : memref<1x40x128xi32, #tpu.memory_space<hbm>> -> memref<40x128xi32, #tpu.memory_space<hbm>>
      tpu.wait_dma2 semaphore(%run_scoped3A : memref<!tpu.dma_semaphore, #tpu.memory_space<semaphore_mem>>) src(%dma_wait3A_94 : memref<40x128xi32, #tpu.memory_space<hbm>>) dst(%arg11 : memref<40x128xi32, #tpu.memory_space<vmem>>)
      tpu.yield
    }) : () -> ()
    %dma_start3A_23 = arith.constant 0 : i32
    %dma_start3A_24 = arith.constant 0 : i32
    %dma_start3A_25 = tpu.memref_slice %arg10[%dma_start3A_23, %dma_start3A_24] : memref<40x128xi32, #tpu.memory_space<vmem>> -> memref<1x128xi32, #tpu.memory_space<vmem>>
    %dma_start3A_26 = tpu.memref_squeeze %dma_start3A_25 : memref<1x128xi32, #tpu.memory_space<vmem>> -> memref<128xi32, #tpu.memory_space<vmem>>
    %dma_start3A_27 = arith.constant 0 : i32
    %dma_start3A_28 = arith.constant 0 : i32
    %dma_start3A_29 = tpu.memref_slice %arg2[%dma_start3A_27, %dma_start3A_28] : memref<10000x128xf32, #tpu.memory_space<hbm>> -> memref<10000x128xf32, #tpu.memory_space<hbm>>
    tpu.enqueue_indirect_dma source(%dma_start3A_29 : memref<10000x128xf32, #tpu.memory_space<hbm>>) target(%arg12 : memref<128x128xf32, #tpu.memory_space<vmem>>) offsets(%dma_start3A_26 : memref<128xi32, #tpu.memory_space<vmem>>) semaphore(%arg15 : memref<!tpu.dma_semaphore, #tpu.memory_space<semaphore_mem>>)
    %dma_start3A_30 = arith.constant 1 : i32
    %dma_start3A_31 = arith.constant 0 : i32
    %dma_start3A_32 = tpu.memref_slice %arg10[%dma_start3A_30, %dma_start3A_31] : memref<40x128xi32, #tpu.memory_space<vmem>> -> memref<1x128xi32, #tpu.memory_space<vmem>>
    %dma_start3A_33 = tpu.memref_squeeze %dma_start3A_32 : memref<1x128xi32, #tpu.memory_space<vmem>> -> memref<128xi32, #tpu.memory_space<vmem>>
    %dma_start3A_34 = arith.constant 0 : i32
    %dma_start3A_35 = arith.constant 0 : i32
    %dma_start3A_36 = tpu.memref_slice %arg2[%dma_start3A_34, %dma_start3A_35] : memref<10000x128xf32, #tpu.memory_space<hbm>> -> memref<10000x128xf32, #tpu.memory_space<hbm>>
    tpu.enqueue_indirect_dma source(%dma_start3A_36 : memref<10000x128xf32, #tpu.memory_space<hbm>>) target(%arg13 : memref<128x128xf32, #tpu.memory_space<vmem>>) offsets(%dma_start3A_33 : memref<128xi32, #tpu.memory_space<vmem>>) semaphore(%arg16 : memref<!tpu.dma_semaphore, #tpu.memory_space<semaphore_mem>>)
    %scan3A_37 = arith.constant 0 : i32
    %scan3A_38 = arith.constant 0 : i32
    %scan3A_39 = arith.constant 20 : i32
    %scan3A_40 = arith.addi %scan3A_38, %scan3A_39 : i32
    %scan3A_41 = arith.constant 1 : i32
    scf.for %scan3A_79 = %scan3A_38 to %scan3A_40 step %scan3A_41  : i32 {
      %mul3A_80 = arith.constant 2 : i32
      %mul3A_81 = arith.muli %mul3A_80, %scan3A_79 : i32
      %dma_wait3A_82 = arith.constant 0 : i32
      %dma_wait3A_83 = tpu.memref_slice %arg10[%mul3A_81, %dma_wait3A_82] : memref<40x128xi32, #tpu.memory_space<vmem>> -> memref<1x128xi32, #tpu.memory_space<vmem>>
      %dma_wait3A_84 = tpu.memref_squeeze %dma_wait3A_83 : memref<1x128xi32, #tpu.memory_space<vmem>> -> memref<128xi32, #tpu.memory_space<vmem>>
      %dma_wait3A_85 = arith.constant 0 : i32
      %dma_wait3A_86 = arith.constant 0 : i32
      %dma_wait3A_87 = tpu.memref_slice %arg2[%dma_wait3A_85, %dma_wait3A_86] : memref<10000x128xf32, #tpu.memory_space<hbm>> -> memref<10000x128xf32, #tpu.memory_space<hbm>>
      tpu.wait_indirect_dma semaphore(%arg15 : memref<!tpu.dma_semaphore, #tpu.memory_space<semaphore_mem>>) src(%dma_wait3A_87 : memref<10000x128xf32, #tpu.memory_space<hbm>>) dst(%arg12 : memref<128x128xf32, #tpu.memory_space<vmem>>)
      "tpu.region"() ({
        %run_scoped3A = tpu.sem_alloc : memref<!tpu.dma_semaphore, #tpu.memory_space<semaphore_mem>>
        %dma_start3A_105 = arith.constant 0 : i32
        %dma_start3A_106 = tpu.memref_slice %arg11[%mul3A_81, %dma_start3A_105] : memref<40x128xi32, #tpu.memory_space<vmem>> -> memref<1x128xi32, #tpu.memory_space<vmem>>
        %dma_start3A_107 = tpu.memref_squeeze %dma_start3A_106 : memref<1x128xi32, #tpu.memory_space<vmem>> -> memref<128xi32, #tpu.memory_space<vmem>>
        %dma_start3A_108 = arith.constant 0 : i32
        %dma_start3A_109 = arith.constant 0 : i32
        %dma_start3A_110 = tpu.memref_slice %arg9[%dma_start3A_108, %dma_start3A_109] : memref<10112x128xf32, #tpu.memory_space<vmem_shared>> -> memref<10112x128xf32, #tpu.memory_space<vmem_shared>>
        tpu.enqueue_indirect_dma source(%arg12 : memref<128x128xf32, #tpu.memory_space<vmem>>) target(%dma_start3A_110 : memref<10112x128xf32, #tpu.memory_space<vmem_shared>>) offsets(%dma_start3A_107 : memref<128xi32, #tpu.memory_space<vmem>>) semaphore(%run_scoped3A : memref<!tpu.dma_semaphore, #tpu.memory_space<semaphore_mem>>) {add = true}
        %dma_wait3A_111 = arith.constant 0 : i32
        %dma_wait3A_112 = tpu.memref_slice %arg11[%mul3A_81, %dma_wait3A_111] : memref<40x128xi32, #tpu.memory_space<vmem>> -> memref<1x128xi32, #tpu.memory_space<vmem>>
        %dma_wait3A_113 = tpu.memref_squeeze %dma_wait3A_112 : memref<1x128xi32, #tpu.memory_space<vmem>> -> memref<128xi32, #tpu.memory_space<vmem>>
        %dma_wait3A_114 = arith.constant 0 : i32
        %dma_wait3A_115 = arith.constant 0 : i32
        %dma_wait3A_116 = tpu.memref_slice %arg9[%dma_wait3A_114, %dma_wait3A_115] : memref<10112x128xf32, #tpu.memory_space<vmem_shared>> -> memref<10112x128xf32, #tpu.memory_space<vmem_shared>>
        tpu.wait_indirect_dma semaphore(%run_scoped3A : memref<!tpu.dma_semaphore, #tpu.memory_space<semaphore_mem>>) src(%arg12 : memref<128x128xf32, #tpu.memory_space<vmem>>) dst(%dma_wait3A_116 : memref<10112x128xf32, #tpu.memory_space<vmem_shared>>)
        tpu.yield
      }) : () -> ()
      %lt3A = arith.constant 19 : i32
      %lt3A_88 = arith.cmpi slt, %scan3A_79, %lt3A : i32
      %convert_element_type3A = arith.extui %lt3A_88 : i1 to i32
      %cond3A = arith.constant 0 : i32
      %cond3A_89 = arith.cmpi ne, %convert_element_type3A, %cond3A : i32
      scf.if %cond3A_89 {
        %add3A_105 = arith.constant 2 : i32
        %add3A_106 = arith.addi %mul3A_81, %add3A_105 : i32
        %dma_start3A_107 = arith.constant 0 : i32
        %dma_start3A_108 = tpu.memref_slice %arg10[%add3A_106, %dma_start3A_107] : memref<40x128xi32, #tpu.memory_space<vmem>> -> memref<1x128xi32, #tpu.memory_space<vmem>>
        %dma_start3A_109 = tpu.memref_squeeze %dma_start3A_108 : memref<1x128xi32, #tpu.memory_space<vmem>> -> memref<128xi32, #tpu.memory_space<vmem>>
        %dma_start3A_110 = arith.constant 0 : i32
        %dma_start3A_111 = arith.constant 0 : i32
        %dma_start3A_112 = tpu.memref_slice %arg2[%dma_start3A_110, %dma_start3A_111] : memref<10000x128xf32, #tpu.memory_space<hbm>> -> memref<10000x128xf32, #tpu.memory_space<hbm>>
        tpu.enqueue_indirect_dma source(%dma_start3A_112 : memref<10000x128xf32, #tpu.memory_space<hbm>>) target(%arg12 : memref<128x128xf32, #tpu.memory_space<vmem>>) offsets(%dma_start3A_109 : memref<128xi32, #tpu.memory_space<vmem>>) semaphore(%arg15 : memref<!tpu.dma_semaphore, #tpu.memory_space<semaphore_mem>>)
      } else {
      }
      %add3A_90 = arith.constant 1 : i32
      %add3A_91 = arith.addi %mul3A_81, %add3A_90 : i32
      %dma_wait3A_92 = arith.constant 0 : i32
      %dma_wait3A_93 = tpu.memref_slice %arg10[%add3A_91, %dma_wait3A_92] : memref<40x128xi32, #tpu.memory_space<vmem>> -> memref<1x128xi32, #tpu.memory_space<vmem>>
      %dma_wait3A_94 = tpu.memref_squeeze %dma_wait3A_93 : memref<1x128xi32, #tpu.memory_space<vmem>> -> memref<128xi32, #tpu.memory_space<vmem>>
      %dma_wait3A_95 = arith.constant 0 : i32
      %dma_wait3A_96 = arith.constant 0 : i32
      %dma_wait3A_97 = tpu.memref_slice %arg2[%dma_wait3A_95, %dma_wait3A_96] : memref<10000x128xf32, #tpu.memory_space<hbm>> -> memref<10000x128xf32, #tpu.memory_space<hbm>>
      tpu.wait_indirect_dma semaphore(%arg16 : memref<!tpu.dma_semaphore, #tpu.memory_space<semaphore_mem>>) src(%dma_wait3A_97 : memref<10000x128xf32, #tpu.memory_space<hbm>>) dst(%arg13 : memref<128x128xf32, #tpu.memory_space<vmem>>)
      %add3A_98 = arith.constant 1 : i32
      %add3A_99 = arith.addi %mul3A_81, %add3A_98 : i32
      "tpu.region"() ({
        %run_scoped3A = tpu.sem_alloc : memref<!tpu.dma_semaphore, #tpu.memory_space<semaphore_mem>>
        %dma_start3A_105 = arith.constant 0 : i32
        %dma_start3A_106 = tpu.memref_slice %arg11[%add3A_99, %dma_start3A_105] : memref<40x128xi32, #tpu.memory_space<vmem>> -> memref<1x128xi32, #tpu.memory_space<vmem>>
        %dma_start3A_107 = tpu.memref_squeeze %dma_start3A_106 : memref<1x128xi32, #tpu.memory_space<vmem>> -> memref<128xi32, #tpu.memory_space<vmem>>
        %dma_start3A_108 = arith.constant 0 : i32
        %dma_start3A_109 = arith.constant 0 : i32
        %dma_start3A_110 = tpu.memref_slice %arg9[%dma_start3A_108, %dma_start3A_109] : memref<10112x128xf32, #tpu.memory_space<vmem_shared>> -> memref<10112x128xf32, #tpu.memory_space<vmem_shared>>
        tpu.enqueue_indirect_dma source(%arg13 : memref<128x128xf32, #tpu.memory_space<vmem>>) target(%dma_start3A_110 : memref<10112x128xf32, #tpu.memory_space<vmem_shared>>) offsets(%dma_start3A_107 : memref<128xi32, #tpu.memory_space<vmem>>) semaphore(%run_scoped3A : memref<!tpu.dma_semaphore, #tpu.memory_space<semaphore_mem>>) {add = true}
        %dma_wait3A_111 = arith.constant 0 : i32
        %dma_wait3A_112 = tpu.memref_slice %arg11[%add3A_99, %dma_wait3A_111] : memref<40x128xi32, #tpu.memory_space<vmem>> -> memref<1x128xi32, #tpu.memory_space<vmem>>
        %dma_wait3A_113 = tpu.memref_squeeze %dma_wait3A_112 : memref<1x128xi32, #tpu.memory_space<vmem>> -> memref<128xi32, #tpu.memory_space<vmem>>
        %dma_wait3A_114 = arith.constant 0 : i32
        %dma_wait3A_115 = arith.constant 0 : i32
        %dma_wait3A_116 = tpu.memref_slice %arg9[%dma_wait3A_114, %dma_wait3A_115] : memref<10112x128xf32, #tpu.memory_space<vmem_shared>> -> memref<10112x128xf32, #tpu.memory_space<vmem_shared>>
        tpu.wait_indirect_dma semaphore(%run_scoped3A : memref<!tpu.dma_semaphore, #tpu.memory_space<semaphore_mem>>) src(%arg13 : memref<128x128xf32, #tpu.memory_space<vmem>>) dst(%dma_wait3A_116 : memref<10112x128xf32, #tpu.memory_space<vmem_shared>>)
        tpu.yield
      }) : () -> ()
      %lt3A_100 = arith.constant 19 : i32
      %lt3A_101 = arith.cmpi slt, %scan3A_79, %lt3A_100 : i32
      %convert_element_type3A_102 = arith.extui %lt3A_101 : i1 to i32
      %cond3A_103 = arith.constant 0 : i32
      %cond3A_104 = arith.cmpi ne, %convert_element_type3A_102, %cond3A_103 : i32
      scf.if %cond3A_104 {
        %add3A_105 = arith.constant 3 : i32
        %add3A_106 = arith.addi %mul3A_81, %add3A_105 : i32
        %dma_start3A_107 = arith.constant 0 : i32
        %dma_start3A_108 = tpu.memref_slice %arg10[%add3A_106, %dma_start3A_107] : memref<40x128xi32, #tpu.memory_space<vmem>> -> memref<1x128xi32, #tpu.memory_space<vmem>>
        %dma_start3A_109 = tpu.memref_squeeze %dma_start3A_108 : memref<1x128xi32, #tpu.memory_space<vmem>> -> memref<128xi32, #tpu.memory_space<vmem>>
        %dma_start3A_110 = arith.constant 0 : i32
        %dma_start3A_111 = arith.constant 0 : i32
        %dma_start3A_112 = tpu.memref_slice %arg2[%dma_start3A_110, %dma_start3A_111] : memref<10000x128xf32, #tpu.memory_space<hbm>> -> memref<10000x128xf32, #tpu.memory_space<hbm>>
        tpu.enqueue_indirect_dma source(%dma_start3A_112 : memref<10000x128xf32, #tpu.memory_space<hbm>>) target(%arg13 : memref<128x128xf32, #tpu.memory_space<vmem>>) offsets(%dma_start3A_109 : memref<128xi32, #tpu.memory_space<vmem>>) semaphore(%arg16 : memref<!tpu.dma_semaphore, #tpu.memory_space<semaphore_mem>>)
      } else {
      }
    }
    %scan3A_42 = arith.constant 20 : i32
    %mul3A_43 = arith.constant 160 : i32
    %mul3A_44 = arith.muli %add3A, %mul3A_43 : i32
    %add3A_45 = arith.constant 0 : i32
    %add3A_46 = arith.addi %mul3A_44, %add3A_45 : i32
    "tpu.region"() ({
      %run_scoped3A = tpu.sem_alloc : memref<!tpu.dma_semaphore, #tpu.memory_space<semaphore_mem>>
      %dma_start3A_79 = tpu.memref_slice %arg5[%add3A_46] : memref<5120xi32, #tpu.memory_space<hbm>> -> memref<80xi32, #tpu.memory_space<hbm>>
      %dma_start3A_80 = tpu.memref_slice %arg5[%add3A_46] : memref<5120xi32, #tpu.memory_space<hbm>> -> memref<80xi32, #tpu.memory_space<hbm>>
      tpu.enqueue_dma source(%dma_start3A_80 : memref<80xi32, #tpu.memory_space<hbm>>) target(%arg14 : memref<80xi32, #tpu.memory_space<vmem>>) target_semaphore(%run_scoped3A : memref<!tpu.dma_semaphore, #tpu.memory_space<semaphore_mem>>)
      %dma_wait3A_81 = tpu.memref_slice %arg5[%add3A_46] : memref<5120xi32, #tpu.memory_space<hbm>> -> memref<80xi32, #tpu.memory_space<hbm>>
      %dma_wait3A_82 = tpu.memref_slice %arg5[%add3A_46] : memref<5120xi32, #tpu.memory_space<hbm>> -> memref<80xi32, #tpu.memory_space<hbm>>
      tpu.wait_dma2 semaphore(%run_scoped3A : memref<!tpu.dma_semaphore, #tpu.memory_space<semaphore_mem>>) src(%dma_wait3A_82 : memref<80xi32, #tpu.memory_space<hbm>>) dst(%arg14 : memref<80xi32, #tpu.memory_space<vmem>>)
      tpu.yield
    }) : () -> ()
    %dma_start3A_47 = arith.constant 0 : i32
    %dma_start3A_48 = arith.constant 0 : i32
    %dma_start3A_49 = tpu.memref_slice %arg12[%dma_start3A_47, %dma_start3A_48] : memref<128x128xf32, #tpu.memory_space<vmem>> -> memref<80x128xf32, #tpu.memory_space<vmem>>
    %dma_start3A_50 = arith.constant 0 : i32
    %dma_start3A_51 = arith.constant 0 : i32
    %dma_start3A_52 = tpu.memref_slice %arg2[%dma_start3A_50, %dma_start3A_51] : memref<10000x128xf32, #tpu.memory_space<hbm>> -> memref<10000x128xf32, #tpu.memory_space<hbm>>
    tpu.enqueue_indirect_dma source(%dma_start3A_52 : memref<10000x128xf32, #tpu.memory_space<hbm>>) target(%dma_start3A_49 : memref<80x128xf32, #tpu.memory_space<vmem>>) offsets(%arg14 : memref<80xi32, #tpu.memory_space<vmem>>) semaphore(%arg17 : memref<!tpu.dma_semaphore, #tpu.memory_space<semaphore_mem>>)
    %dma_wait3A = arith.constant 0 : i32
    %dma_wait3A_53 = arith.constant 0 : i32
    %dma_wait3A_54 = tpu.memref_slice %arg12[%dma_wait3A, %dma_wait3A_53] : memref<128x128xf32, #tpu.memory_space<vmem>> -> memref<80x128xf32, #tpu.memory_space<vmem>>
    %dma_wait3A_55 = arith.constant 0 : i32
    %dma_wait3A_56 = arith.constant 0 : i32
    %dma_wait3A_57 = tpu.memref_slice %arg2[%dma_wait3A_55, %dma_wait3A_56] : memref<10000x128xf32, #tpu.memory_space<hbm>> -> memref<10000x128xf32, #tpu.memory_space<hbm>>
    tpu.wait_indirect_dma semaphore(%arg17 : memref<!tpu.dma_semaphore, #tpu.memory_space<semaphore_mem>>) src(%dma_wait3A_57 : memref<10000x128xf32, #tpu.memory_space<hbm>>) dst(%dma_wait3A_54 : memref<80x128xf32, #tpu.memory_space<vmem>>)
    "tpu.region"() ({
      %run_scoped3A = tpu.sem_alloc : memref<!tpu.dma_semaphore, #tpu.memory_space<semaphore_mem>>
      %dma_start3A_79 = arith.constant 0 : i32
      %dma_start3A_80 = arith.constant 0 : i32
      %dma_start3A_81 = tpu.memref_slice %arg12[%dma_start3A_79, %dma_start3A_80] : memref<128x128xf32, #tpu.memory_space<vmem>> -> memref<80x128xf32, #tpu.memory_space<vmem>>
      %dma_start3A_82 = arith.constant 0 : i32
      %dma_start3A_83 = tpu.memref_slice %arg8[%add3A_46, %dma_start3A_82] : memref<5120x128xf32, #tpu.memory_space<hbm>> -> memref<80x128xf32, #tpu.memory_space<hbm>>
      %dma_start3A_84 = arith.constant 0 : i32
      %dma_start3A_85 = tpu.memref_slice %arg8[%add3A_46, %dma_start3A_84] : memref<5120x128xf32, #tpu.memory_space<hbm>> -> memref<80x128xf32, #tpu.memory_space<hbm>>
      %dma_start3A_86 = arith.constant 0 : i32
      %dma_start3A_87 = arith.constant 0 : i32
      %dma_start3A_88 = tpu.memref_slice %arg12[%dma_start3A_86, %dma_start3A_87] : memref<128x128xf32, #tpu.memory_space<vmem>> -> memref<80x128xf32, #tpu.memory_space<vmem>>
      tpu.enqueue_dma source(%dma_start3A_88 : memref<80x128xf32, #tpu.memory_space<vmem>>) target(%dma_start3A_85 : memref<80x128xf32, #tpu.memory_space<hbm>>) target_semaphore(%run_scoped3A : memref<!tpu.dma_semaphore, #tpu.memory_space<semaphore_mem>>)
      %dma_wait3A_89 = arith.constant 0 : i32
      %dma_wait3A_90 = arith.constant 0 : i32
      %dma_wait3A_91 = tpu.memref_slice %arg12[%dma_wait3A_89, %dma_wait3A_90] : memref<128x128xf32, #tpu.memory_space<vmem>> -> memref<80x128xf32, #tpu.memory_space<vmem>>
      %dma_wait3A_92 = arith.constant 0 : i32
      %dma_wait3A_93 = tpu.memref_slice %arg8[%add3A_46, %dma_wait3A_92] : memref<5120x128xf32, #tpu.memory_space<hbm>> -> memref<80x128xf32, #tpu.memory_space<hbm>>
      %dma_wait3A_94 = arith.constant 0 : i32
      %dma_wait3A_95 = tpu.memref_slice %arg8[%add3A_46, %dma_wait3A_94] : memref<5120x128xf32, #tpu.memory_space<hbm>> -> memref<80x128xf32, #tpu.memory_space<hbm>>
      %dma_wait3A_96 = arith.constant 0 : i32
      %dma_wait3A_97 = arith.constant 0 : i32
      %dma_wait3A_98 = tpu.memref_slice %arg12[%dma_wait3A_96, %dma_wait3A_97] : memref<128x128xf32, #tpu.memory_space<vmem>> -> memref<80x128xf32, #tpu.memory_space<vmem>>
      tpu.wait_dma2 semaphore(%run_scoped3A : memref<!tpu.dma_semaphore, #tpu.memory_space<semaphore_mem>>) src(%dma_wait3A_98 : memref<80x128xf32, #tpu.memory_space<vmem>>) dst(%dma_wait3A_95 : memref<80x128xf32, #tpu.memory_space<hbm>>)
      tpu.yield
    }) : () -> ()
    %mul3A_58 = arith.constant 160 : i32
    %mul3A_59 = arith.muli %add3A, %mul3A_58 : i32
    %add3A_60 = arith.constant 80 : i32
    %add3A_61 = arith.addi %mul3A_59, %add3A_60 : i32
    "tpu.region"() ({
      %run_scoped3A = tpu.sem_alloc : memref<!tpu.dma_semaphore, #tpu.memory_space<semaphore_mem>>
      %dma_start3A_79 = tpu.memref_slice %arg5[%add3A_61] : memref<5120xi32, #tpu.memory_space<hbm>> -> memref<80xi32, #tpu.memory_space<hbm>>
      %dma_start3A_80 = tpu.memref_slice %arg5[%add3A_61] : memref<5120xi32, #tpu.memory_space<hbm>> -> memref<80xi32, #tpu.memory_space<hbm>>
      tpu.enqueue_dma source(%dma_start3A_80 : memref<80xi32, #tpu.memory_space<hbm>>) target(%arg14 : memref<80xi32, #tpu.memory_space<vmem>>) target_semaphore(%run_scoped3A : memref<!tpu.dma_semaphore, #tpu.memory_space<semaphore_mem>>)
      %dma_wait3A_81 = tpu.memref_slice %arg5[%add3A_61] : memref<5120xi32, #tpu.memory_space<hbm>> -> memref<80xi32, #tpu.memory_space<hbm>>
      %dma_wait3A_82 = tpu.memref_slice %arg5[%add3A_61] : memref<5120xi32, #tpu.memory_space<hbm>> -> memref<80xi32, #tpu.memory_space<hbm>>
      tpu.wait_dma2 semaphore(%run_scoped3A : memref<!tpu.dma_semaphore, #tpu.memory_space<semaphore_mem>>) src(%dma_wait3A_82 : memref<80xi32, #tpu.memory_space<hbm>>) dst(%arg14 : memref<80xi32, #tpu.memory_space<vmem>>)
      tpu.yield
    }) : () -> ()
    %dma_start3A_62 = arith.constant 0 : i32
    %dma_start3A_63 = arith.constant 0 : i32
    %dma_start3A_64 = tpu.memref_slice %arg12[%dma_start3A_62, %dma_start3A_63] : memref<128x128xf32, #tpu.memory_space<vmem>> -> memref<80x128xf32, #tpu.memory_space<vmem>>
    %dma_start3A_65 = arith.constant 0 : i32
    %dma_start3A_66 = arith.constant 0 : i32
    %dma_start3A_67 = tpu.memref_slice %arg2[%dma_start3A_65, %dma_start3A_66] : memref<10000x128xf32, #tpu.memory_space<hbm>> -> memref<10000x128xf32, #tpu.memory_space<hbm>>
    tpu.enqueue_indirect_dma source(%dma_start3A_67 : memref<10000x128xf32, #tpu.memory_space<hbm>>) target(%dma_start3A_64 : memref<80x128xf32, #tpu.memory_space<vmem>>) offsets(%arg14 : memref<80xi32, #tpu.memory_space<vmem>>) semaphore(%arg17 : memref<!tpu.dma_semaphore, #tpu.memory_space<semaphore_mem>>)
    %dma_wait3A_68 = arith.constant 0 : i32
    %dma_wait3A_69 = arith.constant 0 : i32
    %dma_wait3A_70 = tpu.memref_slice %arg12[%dma_wait3A_68, %dma_wait3A_69] : memref<128x128xf32, #tpu.memory_space<vmem>> -> memref<80x128xf32, #tpu.memory_space<vmem>>
    %dma_wait3A_71 = arith.constant 0 : i32
    %dma_wait3A_72 = arith.constant 0 : i32
    %dma_wait3A_73 = tpu.memref_slice %arg2[%dma_wait3A_71, %dma_wait3A_72] : memref<10000x128xf32, #tpu.memory_space<hbm>> -> memref<10000x128xf32, #tpu.memory_space<hbm>>
    tpu.wait_indirect_dma semaphore(%arg17 : memref<!tpu.dma_semaphore, #tpu.memory_space<semaphore_mem>>) src(%dma_wait3A_73 : memref<10000x128xf32, #tpu.memory_space<hbm>>) dst(%dma_wait3A_70 : memref<80x128xf32, #tpu.memory_space<vmem>>)
    "tpu.region"() ({
      %run_scoped3A = tpu.sem_alloc : memref<!tpu.dma_semaphore, #tpu.memory_space<semaphore_mem>>
      %dma_start3A_79 = arith.constant 0 : i32
      %dma_start3A_80 = arith.constant 0 : i32
      %dma_start3A_81 = tpu.memref_slice %arg12[%dma_start3A_79, %dma_start3A_80] : memref<128x128xf32, #tpu.memory_space<vmem>> -> memref<80x128xf32, #tpu.memory_space<vmem>>
      %dma_start3A_82 = arith.constant 0 : i32
      %dma_start3A_83 = tpu.memref_slice %arg8[%add3A_61, %dma_start3A_82] : memref<5120x128xf32, #tpu.memory_space<hbm>> -> memref<80x128xf32, #tpu.memory_space<hbm>>
      %dma_start3A_84 = arith.constant 0 : i32
      %dma_start3A_85 = tpu.memref_slice %arg8[%add3A_61, %dma_start3A_84] : memref<5120x128xf32, #tpu.memory_space<hbm>> -> memref<80x128xf32, #tpu.memory_space<hbm>>
      %dma_start3A_86 = arith.constant 0 : i32
      %dma_start3A_87 = arith.constant 0 : i32
      %dma_start3A_88 = tpu.memref_slice %arg12[%dma_start3A_86, %dma_start3A_87] : memref<128x128xf32, #tpu.memory_space<vmem>> -> memref<80x128xf32, #tpu.memory_space<vmem>>
      tpu.enqueue_dma source(%dma_start3A_88 : memref<80x128xf32, #tpu.memory_space<vmem>>) target(%dma_start3A_85 : memref<80x128xf32, #tpu.memory_space<hbm>>) target_semaphore(%run_scoped3A : memref<!tpu.dma_semaphore, #tpu.memory_space<semaphore_mem>>)
      %dma_wait3A_89 = arith.constant 0 : i32
      %dma_wait3A_90 = arith.constant 0 : i32
      %dma_wait3A_91 = tpu.memref_slice %arg12[%dma_wait3A_89, %dma_wait3A_90] : memref<128x128xf32, #tpu.memory_space<vmem>> -> memref<80x128xf32, #tpu.memory_space<vmem>>
      %dma_wait3A_92 = arith.constant 0 : i32
      %dma_wait3A_93 = tpu.memref_slice %arg8[%add3A_61, %dma_wait3A_92] : memref<5120x128xf32, #tpu.memory_space<hbm>> -> memref<80x128xf32, #tpu.memory_space<hbm>>
      %dma_wait3A_94 = arith.constant 0 : i32
      %dma_wait3A_95 = tpu.memref_slice %arg8[%add3A_61, %dma_wait3A_94] : memref<5120x128xf32, #tpu.memory_space<hbm>> -> memref<80x128xf32, #tpu.memory_space<hbm>>
      %dma_wait3A_96 = arith.constant 0 : i32
      %dma_wait3A_97 = arith.constant 0 : i32
      %dma_wait3A_98 = tpu.memref_slice %arg12[%dma_wait3A_96, %dma_wait3A_97] : memref<128x128xf32, #tpu.memory_space<vmem>> -> memref<80x128xf32, #tpu.memory_space<vmem>>
      tpu.wait_dma2 semaphore(%run_scoped3A : memref<!tpu.dma_semaphore, #tpu.memory_space<semaphore_mem>>) src(%dma_wait3A_98 : memref<80x128xf32, #tpu.memory_space<vmem>>) dst(%dma_wait3A_95 : memref<80x128xf32, #tpu.memory_space<hbm>>)
      tpu.yield
    }) : () -> ()
    %barrier3A_74 = arith.constant 0 : index
    tpu.barrier barrier_id(%barrier3A_74)
    %mul3A_75 = arith.constant 632 : i32
    %mul3A_76 = arith.muli %arg1, %mul3A_75 : i32
    %mul3A_77 = arith.constant 632 : i32
    %mul3A_78 = arith.muli %arg1, %mul3A_77 : i32
    "tpu.region"() ({
      %run_scoped3A = tpu.sem_alloc : memref<!tpu.dma_semaphore, #tpu.memory_space<semaphore_mem>>
      %dma_start3A_79 = arith.constant 0 : i32
      %dma_start3A_80 = tpu.memref_slice %arg7[%arg0, %mul3A_78, %dma_start3A_79] : memref<2x10112x128xf32, #tpu.memory_space<hbm>> -> memref<1x632x128xf32, #tpu.memory_space<hbm>>
      %dma_start3A_81 = tpu.memref_squeeze %dma_start3A_80 : memref<1x632x128xf32, #tpu.memory_space<hbm>> -> memref<632x128xf32, #tpu.memory_space<hbm>>
      %dma_start3A_82 = arith.constant 0 : i32
      %dma_start3A_83 = tpu.memref_slice %arg9[%mul3A_76, %dma_start3A_82] : memref<10112x128xf32, #tpu.memory_space<vmem_shared>> -> memref<632x128xf32, #tpu.memory_space<vmem_shared>>
      tpu.enqueue_dma source(%dma_start3A_83 : memref<632x128xf32, #tpu.memory_space<vmem_shared>>) target(%dma_start3A_81 : memref<632x128xf32, #tpu.memory_space<hbm>>) target_semaphore(%run_scoped3A : memref<!tpu.dma_semaphore, #tpu.memory_space<semaphore_mem>>)
      %dma_wait3A_84 = arith.constant 0 : i32
      %dma_wait3A_85 = tpu.memref_slice %arg7[%arg0, %mul3A_78, %dma_wait3A_84] : memref<2x10112x128xf32, #tpu.memory_space<hbm>> -> memref<1x632x128xf32, #tpu.memory_space<hbm>>
      %dma_wait3A_86 = tpu.memref_squeeze %dma_wait3A_85 : memref<1x632x128xf32, #tpu.memory_space<hbm>> -> memref<632x128xf32, #tpu.memory_space<hbm>>
      %dma_wait3A_87 = arith.constant 0 : i32
      %dma_wait3A_88 = tpu.memref_slice %arg9[%mul3A_76, %dma_wait3A_87] : memref<10112x128xf32, #tpu.memory_space<vmem_shared>> -> memref<632x128xf32, #tpu.memory_space<vmem_shared>>
      tpu.wait_dma2 semaphore(%run_scoped3A : memref<!tpu.dma_semaphore, #tpu.memory_space<semaphore_mem>>) src(%dma_wait3A_88 : memref<632x128xf32, #tpu.memory_space<vmem_shared>>) dst(%dma_wait3A_86 : memref<632x128xf32, #tpu.memory_space<hbm>>)
      tpu.yield
    }) : () -> ()
    return
  }
}

module attributes {stable_mosaic.version = 14 : i64} {
  func.func @_tc1_body(%arg0: memref<2x10000x128xf32, #tpu.memory_space<vmem>>, %arg1: memref<10000x128xf32, #tpu.memory_space<vmem>>, %arg2: memref<128x64xf32, #tpu.memory_space<vmem>>, %arg3: memref<128x64xf32, #tpu.memory_space<vmem>>, %arg4: memref<1x64xf32, #tpu.memory_space<vmem>>, %arg5: memref<128x128xf32, #tpu.memory_space<vmem>>, %arg6: memref<64x128xf32, #tpu.memory_space<vmem>>, %arg7: memref<10000x128xf32, #tpu.memory_space<vmem>>, %arg8: memref<10000x128xf32, #tpu.memory_space<vmem>>) attributes {dimension_semantics = [], scalar_prefetch = 0 : i64, scratch_operands = 0 : i64, tpu.core_type = #tpu.core_type<tc>} {
    %get3A = arith.constant 0 : index
    %get3A_0 = arith.constant 0 : index
    %get3A_1 = arith.constant 0 : index
    %get3A_2 = vector.load %arg0[%get3A, %get3A_0, %get3A_1] : memref<2x10000x128xf32, #tpu.memory_space<vmem>>, vector<1x10000x128xf32>
    %get3A_3 = vector.shape_cast %get3A_2 : vector<1x10000x128xf32> to vector<10000x128xf32>
    %get3A_4 = arith.constant 1 : index
    %get3A_5 = arith.constant 0 : index
    %get3A_6 = arith.constant 0 : index
    %get3A_7 = vector.load %arg0[%get3A_4, %get3A_5, %get3A_6] : memref<2x10000x128xf32, #tpu.memory_space<vmem>>, vector<1x10000x128xf32>
    %get3A_8 = vector.shape_cast %get3A_7 : vector<1x10000x128xf32> to vector<10000x128xf32>
    %add3A = arith.addf %get3A_3, %get3A_8 : vector<10000x128xf32>
    %get3A_9 = arith.constant 0 : index
    %get3A_10 = arith.constant 0 : index
    %get3A_11 = vector.load %arg2[%get3A_9, %get3A_10] : memref<128x64xf32, #tpu.memory_space<vmem>>, vector<128x64xf32>
    %dot_general3A = arith.constant dense<0.000000e+00> : vector<10000x64xf32>
    %dot_general3A_12 = tpu.matmul %add3A, %get3A_11, %dot_general3A {dimension_numbers = #tpu.dot_dimension_numbers<[1], [0], [0], [1], [0, 0, 1, 1], [], []>, transpose_lhs_hint = false} : vector<10000x128xf32>, vector<128x64xf32>, vector<10000x64xf32> -> vector<10000x64xf32>
    %get3A_13 = arith.constant 0 : index
    %get3A_14 = arith.constant 0 : index
    %get3A_15 = vector.load %arg1[%get3A_13, %get3A_14] : memref<10000x128xf32, #tpu.memory_space<vmem>>, vector<10000x128xf32>
    %get3A_16 = arith.constant 0 : index
    %get3A_17 = arith.constant 0 : index
    %get3A_18 = vector.load %arg3[%get3A_16, %get3A_17] : memref<128x64xf32, #tpu.memory_space<vmem>>, vector<128x64xf32>
    %dot_general3A_19 = arith.constant dense<0.000000e+00> : vector<10000x64xf32>
    %dot_general3A_20 = tpu.matmul %get3A_15, %get3A_18, %dot_general3A_19 {dimension_numbers = #tpu.dot_dimension_numbers<[1], [0], [0], [1], [0, 0, 1, 1], [], []>, transpose_lhs_hint = false} : vector<10000x128xf32>, vector<128x64xf32>, vector<10000x64xf32> -> vector<10000x64xf32>
    %add3A_21 = arith.addf %dot_general3A_12, %dot_general3A_20 : vector<10000x64xf32>
    %get3A_22 = arith.constant 0 : index
    %get3A_23 = arith.constant 0 : index
    %get3A_24 = vector.load %arg4[%get3A_22, %get3A_23] : memref<1x64xf32, #tpu.memory_space<vmem>>, vector<1x64xf32>
    %add3A_25 = vector.broadcast %get3A_24 : vector<1x64xf32> to vector<10000x64xf32>
    %add3A_26 = arith.addf %add3A_21, %add3A_25 : vector<10000x64xf32>
    %broadcast_in_dim3A = arith.constant 0.000000e+00 : f32
    %broadcast_in_dim3A_27 = vector.broadcast %broadcast_in_dim3A : f32 to vector<10000x64xf32>
    %concatenate3A = tpu.concatenate %add3A_26, %broadcast_in_dim3A_27 in 1 : vector<10000x64xf32>, vector<10000x64xf32> -> vector<10000x128xf32>
    %swap3A = arith.constant 0 : index
    %swap3A_28 = arith.constant 0 : index
    %swap3A_29 = vector.load %arg7[%swap3A, %swap3A_28] : memref<10000x128xf32, #tpu.memory_space<vmem>>, vector<10000x128xf32>
    tpu.vector_store %arg7[%swap3A, %swap3A_28], %concatenate3A {strides = array<i32>} : memref<10000x128xf32, #tpu.memory_space<vmem>>, vector<10000x128xf32>,
    %get3A_30 = arith.constant 0 : index
    %get3A_31 = arith.constant 0 : index
    %get3A_32 = vector.load %arg1[%get3A_30, %get3A_31] : memref<10000x128xf32, #tpu.memory_space<vmem>>, vector<10000x128xf32>
    %get3A_33 = arith.constant 0 : index
    %get3A_34 = arith.constant 0 : index
    %get3A_35 = vector.load %arg5[%get3A_33, %get3A_34] : memref<128x128xf32, #tpu.memory_space<vmem>>, vector<128x128xf32>
    %dot_general3A_36 = arith.constant dense<0.000000e+00> : vector<10000x128xf32>
    %dot_general3A_37 = tpu.matmul %get3A_32, %get3A_35, %dot_general3A_36 {dimension_numbers = #tpu.dot_dimension_numbers<[1], [0], [0], [1], [0, 0, 1, 1], [], []>, transpose_lhs_hint = false} : vector<10000x128xf32>, vector<128x128xf32>, vector<10000x128xf32> -> vector<10000x128xf32>
    %get3A_38 = arith.constant 0 : index
    %get3A_39 = arith.constant 0 : index
    %get3A_40 = vector.load %arg6[%get3A_38, %get3A_39] : memref<64x128xf32, #tpu.memory_space<vmem>>, vector<64x128xf32>
    %dot_general3A_41 = arith.constant dense<0.000000e+00> : vector<10000x128xf32>
    %dot_general3A_42 = tpu.matmul %add3A_26, %get3A_40, %dot_general3A_41 {dimension_numbers = #tpu.dot_dimension_numbers<[1], [0], [0], [1], [0, 0, 1, 1], [], []>, transpose_lhs_hint = false} : vector<10000x64xf32>, vector<64x128xf32>, vector<10000x128xf32> -> vector<10000x128xf32>
    %add3A_43 = arith.addf %dot_general3A_37, %dot_general3A_42 : vector<10000x128xf32>
    %swap3A_44 = arith.constant 0 : index
    %swap3A_45 = arith.constant 0 : index
    %swap3A_46 = vector.load %arg8[%swap3A_44, %swap3A_45] : memref<10000x128xf32, #tpu.memory_space<vmem>>, vector<10000x128xf32>
    tpu.vector_store %arg8[%swap3A_44, %swap3A_45], %add3A_43 {strides = array<i32>} : memref<10000x128xf32, #tpu.memory_space<vmem>>, vector<10000x128xf32>,
    return
  }
}

module attributes {stable_mosaic.version = 14 : i64} {
  func.func @_tc2_body(%arg0: memref<2x5000x128xf32, #tpu.memory_space<vmem>>, %arg1: memref<5000x128xf32, #tpu.memory_space<vmem>>, %arg2: memref<5000x64xf32, #tpu.memory_space<vmem>>, %arg3: memref<128x128xf32, #tpu.memory_space<vmem>>, %arg4: memref<64x128xf32, #tpu.memory_space<vmem>>, %arg5: memref<1x128xf32, #tpu.memory_space<vmem>>, %arg6: memref<1x128xf32, #tpu.memory_space<vmem>>, %arg7: memref<5000x128xf32, #tpu.memory_space<vmem>>) attributes {dimension_semantics = [], scalar_prefetch = 0 : i64, scratch_operands = 0 : i64, tpu.core_type = #tpu.core_type<tc>} {
    %get3A = arith.constant 0 : index
    %get3A_0 = arith.constant 0 : index
    %get3A_1 = arith.constant 0 : index
    %get3A_2 = vector.load %arg0[%get3A, %get3A_0, %get3A_1] : memref<2x5000x128xf32, #tpu.memory_space<vmem>>, vector<1x5000x128xf32>
    %get3A_3 = vector.shape_cast %get3A_2 : vector<1x5000x128xf32> to vector<5000x128xf32>
    %get3A_4 = arith.constant 1 : index
    %get3A_5 = arith.constant 0 : index
    %get3A_6 = arith.constant 0 : index
    %get3A_7 = vector.load %arg0[%get3A_4, %get3A_5, %get3A_6] : memref<2x5000x128xf32, #tpu.memory_space<vmem>>, vector<1x5000x128xf32>
    %get3A_8 = vector.shape_cast %get3A_7 : vector<1x5000x128xf32> to vector<5000x128xf32>
    %add3A = arith.addf %get3A_3, %get3A_8 : vector<5000x128xf32>
    %get3A_9 = arith.constant 0 : index
    %get3A_10 = arith.constant 0 : index
    %get3A_11 = vector.load %arg1[%get3A_9, %get3A_10] : memref<5000x128xf32, #tpu.memory_space<vmem>>, vector<5000x128xf32>
    %get3A_12 = arith.constant 0 : index
    %get3A_13 = arith.constant 0 : index
    %get3A_14 = vector.load %arg3[%get3A_12, %get3A_13] : memref<128x128xf32, #tpu.memory_space<vmem>>, vector<128x128xf32>
    %dot_general3A = arith.constant dense<0.000000e+00> : vector<5000x128xf32>
    %dot_general3A_15 = tpu.matmul %get3A_11, %get3A_14, %dot_general3A {dimension_numbers = #tpu.dot_dimension_numbers<[1], [0], [0], [1], [0, 0, 1, 1], [], []>, transpose_lhs_hint = false} : vector<5000x128xf32>, vector<128x128xf32>, vector<5000x128xf32> -> vector<5000x128xf32>
    %add3A_16 = arith.addf %add3A, %dot_general3A_15 : vector<5000x128xf32>
    %get3A_17 = arith.constant 0 : index
    %get3A_18 = arith.constant 0 : index
    %get3A_19 = vector.load %arg2[%get3A_17, %get3A_18] : memref<5000x64xf32, #tpu.memory_space<vmem>>, vector<5000x64xf32>
    %get3A_20 = arith.constant 0 : index
    %get3A_21 = arith.constant 0 : index
    %get3A_22 = vector.load %arg4[%get3A_20, %get3A_21] : memref<64x128xf32, #tpu.memory_space<vmem>>, vector<64x128xf32>
    %dot_general3A_23 = arith.constant dense<0.000000e+00> : vector<5000x128xf32>
    %dot_general3A_24 = tpu.matmul %get3A_19, %get3A_22, %dot_general3A_23 {dimension_numbers = #tpu.dot_dimension_numbers<[1], [0], [0], [1], [0, 0, 1, 1], [], []>, transpose_lhs_hint = false} : vector<5000x64xf32>, vector<64x128xf32>, vector<5000x128xf32> -> vector<5000x128xf32>
    %add3A_25 = arith.addf %add3A_16, %dot_general3A_24 : vector<5000x128xf32>
    %get3A_26 = arith.constant 0 : index
    %get3A_27 = arith.constant 0 : index
    %get3A_28 = vector.load %arg5[%get3A_26, %get3A_27] : memref<1x128xf32, #tpu.memory_space<vmem>>, vector<1x128xf32>
    %add3A_29 = vector.broadcast %get3A_28 : vector<1x128xf32> to vector<5000x128xf32>
    %add3A_30 = arith.addf %add3A_25, %add3A_29 : vector<5000x128xf32>
    %get3A_31 = arith.constant 0 : index
    %get3A_32 = arith.constant 0 : index
    %get3A_33 = vector.load %arg6[%get3A_31, %get3A_32] : memref<1x128xf32, #tpu.memory_space<vmem>>, vector<1x128xf32>
    %add3A_34 = vector.broadcast %get3A_33 : vector<1x128xf32> to vector<5000x128xf32>
    %add3A_35 = arith.addf %add3A_30, %add3A_34 : vector<5000x128xf32>
    %max3A = arith.constant 0.000000e+00 : f32
    %max3A_36 = vector.broadcast %max3A : f32 to vector<5000x128xf32>
    %max3A_37 = arith.maximumf %add3A_35, %max3A_36 : vector<5000x128xf32>
    %swap3A = arith.constant 0 : index
    %swap3A_38 = arith.constant 0 : index
    %swap3A_39 = vector.load %arg7[%swap3A, %swap3A_38] : memref<5000x128xf32, #tpu.memory_space<vmem>>, vector<5000x128xf32>
    tpu.vector_store %arg7[%swap3A, %swap3A_38], %max3A_37 {strides = array<i32>} : memref<5000x128xf32, #tpu.memory_space<vmem>>, vector<5000x128xf32>,
    return
  }
}

</mosaic_0001>

<sc_bundles>
// kernel: kernel.6.cloned.1.call-start
scs
__scs_entry_jumppad:
0x0: {  	(pc) =	sbr.rel $0x88, $3  }
0x1: {  	(tag) =	ssettag $0x0;
	lr =	simm.s32 $0x1  }
0x2: {  	[smem:$0x3F94] =	sst lr;
	_ =	strace $0xD0000000  }
0x3: {  	_ = 	snop  }
0x4: {  	_ = 	snop  }
0x5: {  	_ = 	snop  }
0x6: {  	_ = 	snop  }
0x7: {  	_ = 	snop  }
__scs_overlays_trampoline_lowered:
0x8: {  	[smem:$0x3FA3] =	sst s0  }
0x9: {  	[smem:$0x3FA4] =	sst s1  }
0xa: {  	[smem:$0x3FA5] =	sst s2  }
0xb: {  	[smem:$0x3FA6] =	sst s3  }
0xc: {  	[smem:$0x3FA7] =	sst s4  }
0xd: {  	[smem:$0x3FA8] =	sst s5  }
0xe: {  	[smem:$0x3FA9] =	sst s6  }
0xf: {  	[smem:$0x3FAA] =	sst s7  }
0x10: {  	[smem:$0x3FAB] =	sst s8  }
0x11: {  	[smem:$0x3FAC] =	sst s9;
	s0 =	simm.s32 @!p0 $0x0  }
0x12: {  	s1 =	sld [smem:$0x3F92];
	s0 =	simm.s32 @p0 $0x1  }
0x13: {  	[smem:$0x3FAD] =	sst s0;
	s0 =	simm.s32 @!p1 $0x0  }
0x14: {  	s2 =	sld [smem:$0x3F91];
	s0 =	simm.s32 @p1 $0x1  }
0x15: {  	[smem:$0x3FAE] =	sst s0;
	s0 =	simm.s32 @!p2 $0x0  }
0x16: {  	s3 =	sld [smem:$0x3FDB];
	s0 =	simm.s32 @p2 $0x1  }
0x17: {  	s4 =	simm.s32 $0x1BF5;
	[smem:$0x3FB0] =	sst s0  }
0x18: {  	s0 =	sld [smem:$0x3F93];
	_ =	swait.ge [sflag:s4], $0x0  }
0x19: {  	s7 =	sld [smem:$0x3F94]  }
0x1a: {  	s8 =	sadd.s32 $0xFFFFE003, lr  }
0x1b: {  	s9 =	sadd.s32 $0xFFFFFEF7, lr;
	s5 =	simm.s32 $0xFFFFFFFF;
	p2 =	slt.u32 s8, $0xFFFFF086  }
0x1c: {  	p1 =	slt.u32 s9, $0xF7A;
	s5 =	simm.s32 @!p2 $0x0  }
0x1d: {  	s5 =	simm.s32 @p1 $0x1;
	p0 =	seq.s32 s7, s2  }
0x1e: {  	s7 =	smul.u32 @!p0 $0xF7A, s2;
	p2 =	seq.s32 @!p0 s5, $0x0  }
0x1f: {  	s9 =	smul.u32 $0xF7A, s1;
	s8 =	simm.s32 @!p0 $0x1BF5;
	p2 =	por !p2, p0  }
0x20: {  	[sflag:s8] =	ssyncset.s32 @!p0 $0xFFFFF086;
	s6 =	sadd.s32 @!p0 s3, s7;
	s7 =	simm.s32 @!p0 $0x108  }
0x21: {  	s3 =	sadd.s32 s3, s9;
	s6 =	sadd.s32 @!p0 $0x88, s6;
	s7 =	simm.s32 @p2 $0x1082  }
0x22: {  	[simem:s7], [sflag:s8] =	dma.local @!p0 [hbm:s6], $0xF7A  }
0x23: {  	s9 =	sor.u32 $0xD0000000, s2;
	s6 =	simm.s32 $0x108;
	_ =	swait.ge @!p0 [sflag:s8], $0x0  }
0x24: {  	s3 =	sadd.s32 $0x88, s3;
	s6 =	simm.s32 @!p1 $0x1082;
	[sflag:s4] =	ssyncset.s32 $0xFFFFF086  }
0x25: {  	[simem:s6], [sflag:s4] =	dma.local [hbm:s3], $0xF7A  }
0x26: {  	[smem:$0x3F94] =	sst s1;
	(tag) =	ssettag s2;
	_ =	strace s9  }
0x27: {  	s1 =	sld [smem:$0x3FA4]  }
0x28: {  	s2 =	sld [smem:$0x3FA5]  }
0x29: {  	s4 =	sld [smem:$0x3FA7]  }
0x2a: {  	p0 =	seq.s32 s5, $0x0;
	s5 =	sld [smem:$0x3FA8]  }
0x2b: {  	s6 =	sld [smem:$0x3FA9]  }
0x2c: {  	s7 =	sld [smem:$0x3FAA]  }
0x2d: {  	s3 =	simm.s32 $0x108;
	s8 =	sld [smem:$0x3FAB]  }
0x2e: {  	s3 =	simm.s32 @!p0 $0x1082;
	s9 =	sld [smem:$0x3FAC]  }
0x2f: {  	lr =	sadd.s32 s0, s3;
	s0 =	sld [smem:$0x3FA3]  }
0x30: {  	s3 =	sld [smem:$0x3FA6]  }
0x31: {  	[smem:$0x3FAF] =	sst s10  }
0x32: {  	s10 =	sld [smem:$0x3FAD];
	_ =	sdelay $0x3  }
0x33: {  	p0 =	seq.s32 s10, $0x1;
	s10 =	sld [smem:$0x3FAF];
	_ =	sdelay $0x3  }
0x34: {  	[smem:$0x3FAF] =	sst s10  }
0x35: {  	s10 =	sld [smem:$0x3FAE];
	_ =	sdelay $0x3  }
0x36: {  	p1 =	seq.s32 s10, $0x1;
	s10 =	sld [smem:$0x3FAF];
	_ =	sdelay $0x3  }
0x37: {  	[smem:$0x3FAF] =	sst s10  }
0x38: {  	s10 =	sld [smem:$0x3FB0]  }
0x39: {  	_ = 	snop;
	(pc) =	sbr.ind lr, $3  }
0x3a: {  	_ = 	snop  }
0x3b: {  	_ = 	snop  }
0x3c: {  	p2 =	seq.s32 s10, $0x1;
	s10 =	sld [smem:$0x3FAF]  }
0x3d: {  	_ =	shalt  }
0x3e: {  	_ =	shalt  }
0x3f: {  	_ =	shalt  }
0x40: {  	_ =	shalt  }
0x41: {  	_ =	shalt  }
0x42: {  	_ =	shalt  }
0x43: {  	_ =	shalt  }
0x44: {  	_ =	shalt  }
0x45: {  	_ =	shalt  }
0x46: {  	_ =	shalt  }
0x47: {  	_ =	shalt  }
0x48: {  	_ =	shalt  }
0x49: {  	_ =	shalt  }
0x4a: {  	_ =	shalt  }
0x4b: {  	_ =	shalt  }
0x4c: {  	_ =	shalt  }
0x4d: {  	_ =	shalt  }
0x4e: {  	_ =	shalt  }
0x4f: {  	_ =	shalt  }
0x50: {  	_ =	shalt  }
0x51: {  	_ =	shalt  }
0x52: {  	_ =	shalt  }
0x53: {  	_ =	shalt  }
0x54: {  	_ =	shalt  }
0x55: {  	_ =	shalt  }
0x56: {  	_ =	shalt  }
0x57: {  	_ =	shalt  }
0x58: {  	_ =	shalt  }
0x59: {  	_ =	shalt  }
0x5a: {  	_ =	shalt  }
0x5b: {  	_ =	shalt  }
0x5c: {  	_ =	shalt  }
0x5d: {  	_ =	shalt  }
0x5e: {  	_ =	shalt  }
0x5f: {  	_ =	shalt  }
0x60: {  	_ =	shalt  }
0x61: {  	_ =	shalt  }
0x62: {  	_ =	shalt  }
0x63: {  	_ =	shalt  }
0x64: {  	_ =	shalt  }
0x65: {  	_ =	shalt  }
0x66: {  	_ =	shalt  }
0x67: {  	_ =	shalt  }
0x68: {  	_ =	shalt  }
0x69: {  	_ =	shalt  }
0x6a: {  	_ =	shalt  }
0x6b: {  	_ =	shalt  }
0x6c: {  	_ =	shalt  }
0x6d: {  	_ =	shalt  }
0x6e: {  	_ =	shalt  }
0x6f: {  	_ =	shalt  }
0x70: {  	_ =	shalt  }
0x71: {  	_ =	shalt  }
0x72: {  	_ =	shalt  }
0x73: {  	_ =	shalt  }
0x74: {  	_ =	shalt  }
0x75: {  	_ =	shalt  }
0x76: {  	_ =	shalt  }
0x77: {  	_ =	shalt  }
0x78: {  	_ =	shalt  }
0x79: {  	_ =	shalt  }
0x7a: {  	_ =	shalt  }
0x7b: {  	_ =	shalt  }
0x7c: {  	_ =	shalt  }
0x7d: {  	_ =	shalt  }
0x7e: {  	_ =	shalt  }
0x7f: {  	_ =	shalt  }
0x80: {  	_ =	shalt  }
0x81: {  	_ =	shalt  }
0x82: {  	_ =	shalt  }
0x83: {  	_ =	shalt  }
0x84: {  	_ =	shalt  }
0x85: {  	_ =	shalt  }
0x86: {  	_ =	shalt  }
0x87: {  	_ =	shalt  }
.Lfunc_end0:
.L_simem_size_0:
called_computation_lowered:
.L_overlay_start_0:
0x88: {  	s2 =	sld [smem:$0x3FD9]  }
0x89: {  	s3 =	sld [smem:$0x3FFE];
	_ =	sdelay $0x1  }
0x8a: {  	s1 =	srdreg.scid  }
0x8b: {  	s0 =	sand.u32 $0x1, s1  }
0x8c: {  	s17 =	sshll.u32 s0, $0xA;
	s2 =	sadd.s32 s3, s2  }
0x8d: {  	s2 =	sadd.s32 s2, s17  }
0x8e: {  	[smem:$0x3FBB] =	sst s2  }
0x8f: {  	_ = 	snop  }
0x90: {  	s2 =	sld [smem:$0x3FC9]  }
0x91: {  	s18 =	sld [smem:$0x3FD0];
	(tm) =	ssettm $0x1  }
0x92: {  	s4 =	sld [smem:$0x3FFB];
	_ =	sdelay $0x3  }
0x93: {  	_ =	strace s4  }
0x94: {  	s4 =	sld [smem:$0x3FFC];
	_ =	sdelay $0x3  }
0x95: {  	_ =	strace s4  }
0x96: {  	s4 =	sld [smem:$0x3FFD];
	_ =	sdelay $0x3  }
0x97: {  	_ =	strace s4  }
0x98: {  	_ =	strace $0x8FFFFFFF  }
0x99: {  	s19 =	sld [smem:$0x3FDB];
	_ =	sdelay $0x1  }
0x9a: {  	s5 =	simm.s32 $_scs_section_size  }
0x9b: {  	s6 =	simm.s32 $_size__tile_overlayer_lowered;
	s7 =	simm.s32 $_tile_overlayer_lowered  }
0x9c: {  	s22 =	simm.s32 $0x1BFF;
	s21 =	sshll.u32 s7, $0x1;
	s4 =	sadd.s32 s5, s19  }
0x9d: {  	s8 =	simm.s32 $0x0;
	s20 =	sshll.u32 s6, $0x1;
	s6 =	sadd.s32 s21, s4  }
0x9e: {  	[timem:s8], [sflag:s22] =	dma.local [hbm:s6], s20  }
0x9f: {  	_ =	swait.ge [sflag:s22], s20  }
0xa0: {  	s5 =	ssub.s32 $0x0, s20;
	[sflag:s22] =	ssyncset.done $0x0  }
0xa1: {  	[sflag:s22] =	ssyncadd.s32 s5;
	_ =	sdelay $0x1  }
0xa2: {  	s23 =	simm.s32 $0x1B8B  }
0xa3: {  	_ =	swait.ge [sflag:s23], $0x1  }
0xa4: {  	[sflag:s23] =	ssyncset.done $0x0  }
0xa5: {  	s25 =	simm.s32 $0x1B8E;
	s24 =	sld [smem:$0x3FFE];
	[sflag:s23] =	ssyncadd.s32 $0xFFFFFFFF  }
0xa6: {  	s26 =	simm.s32 $execute0_lowered;
	[smem:$0x3FD2] =	sst s25  }
0xa7: {  	s6 =	sshll.u32 s26, $0x1;
	_ =	strace $0x80000046;
	[dreg:$0x1] =	wrdreg $0xFFFFFFFF  }
0xa8: {  	s28 =	simm.s32 $_size_execute0_lowered;
	s4 =	sadd.s32 s4, s6;
	[dreg:$0x0] =	wrdreg $0x0  }
0xa9: {  	s6 =	sshll.u32 s28, $0x1;
	[dreg:$0x2] =	wrdreg s4  }
0xaa: {  	[dreg:$0x3] =	wrdreg s6  }
0xab: {  	[dreg:$0x4] =	wrdreg $0xC0  }
0xac: {  	_ =	task [dreg:s8], $0x5FFFF  }
0xad: {  	[dreg:$0x1] =	wrdreg $0xFFFFFFFF  }
0xae: {  	[dreg:$0x0] =	wrdreg $0x60  }
0xaf: {  	[dreg:$0x2] =	wrdreg s2  }
0xb0: {  	[dreg:$0x3] =	wrdreg s18  }
0xb1: {  	[dreg:$0x4] =	wrdreg s24  }
0xb2: {  	[dreg:$0x5] =	wrdreg $0x0  }
0xb3: {  	[dreg:$0x6] =	wrdreg $0x9  }
0xb4: {  	_ =	task.clear_ibuf [dreg:s8], $0x7FFFF;
	_ =	strace $0x90000046  }
0xb5: {  	s29 =	simm.s32 $0x9;
	_ =	strace $0x80000048  }
0xb6: {  	_ =	swait.ge [sflag:s29], $0x1  }
0xb7: {  	[sflag:s29] =	ssyncadd.s32 $0xFFFFFFFF  }
0xb8: {  	_ =	strace $0x90000048  }
0xb9: {  	_ =	sfence  }
0xba: {  	s30 =	sld [smem:$0x0];
	_ =	sdelay $0x2  }
0xbb: {  	s31 =	sshll.u32 s1, $0xD;
	s1 =	sshrl.u32 s1, $0x2  }
0xbc: {  	s3 =	sand.u32 $0x4000, s31;
	s1 =	sadd.s32 s1, s30  }
0xbd: {  	s0 =	sor.u32 s3, s0;
	s1 =	sshll.u32 s1, $0x11  }
0xbe: {  	s0 =	sor.u32 s1, s0  }
0xbf: {  	s0 =	sadd.s32 $0x8F2B, s0  }
0xc0: {  	[sflag:s0] =	ssyncadd.remote.s32 $0x1  }
0xc1: {  	_ =	sfence.sel $0xFFFF  }
0xc2: {  	[dreg:$0x0] =	wrdreg $0xFFFFFFFF;
	(pc) =	sbr.abs _section_cstart, $3  }
0xc3: {  	[dreg:$0x1] =	wrdreg $0xFFFFFFFF  }
0xc4: {  	_ =	task.clear_ibuf [dreg:s8], $0x2FFFF;
	_ =	strace $0x9FFFFFFF  }
0xc5: {  	(tm) =	ssettm $0x7FFFFFFF  }
tec
execute0_lowered:
.L_overlay_start_1:
0x0: {  	(tag) =	ssettag $0x1  }
0x1: {  	s1 =	rddreg [dreg:$0x0]  }
0x2: {  	s0 =	rddreg [dreg:$0x1]  }
0x3: {  	s2 =	rddreg [dreg:$0x2]  }
0x4: {  	s3 =	rddreg [dreg:$0x3]  }
0x5: {  	s13 =	stileid.u32;
	s5 =	srdreg.scid  }
0x6: {  	s4 =	simm.s32 $0x0;
	s28 =	simm.s32 $0x16300;
	s29 =	simm.s32 $0x16380  }
0x7: {  	s30 =	simm.s32 $0x1E400;
	s31 =	simm.s32 $0x50;
	s6 =	smul.u32 $0x13C00, s13  }
0x8: {  	s5 =	sand.u32 $0x1, s5;
	[smem:$0x7FF] =	sst s4;
	s8 =	sadd.s32 $0x2A00, s2  }
0x9: {  	s14 =	sadd.s32 $0x2600, s2;
	s10 =	smul.u32 $0x4F000, s13;
	s20 =	sshll.u32 s13, $0x6  }
0xa: {  	s7 =	smul.u32 $0x13C000, s5;
	_ =	strace $0x80000047;
	s16 =	sshll.u32 s5, $0x4  }
0xb: {  	s5 =	ssub.s32 $0x2, s5;
	s9 =	sshrl.u32 s6, $0x3;
	s11 =	sor.u32 s13, s16  }
0xc: {  	s17 =	sshrl.u32 s5, $0x1;
	s10 =	sshrl.u32 s10, $0x2;
	s9 =	sadd.s32 s9, s2  }
0xd: {  	s6 =	sadd.s32 s6, s7;
	s12 =	smul.u32 $0x2800, s11;
	s5 =	ssub.s32 s5, s17  }
0xe: {  	s18 =	sadd.s32 s10, s3;
	s7 =	sor.u32 $0x1C04, s20;
	s22 =	smul.u32 $0xA0, s11  }
0xf: {  	s15 =	smul.u32 $0xA00, s11;
	s20 =	simm.s32 $0x15000;
	s6 =	sshrl.u32 s6, $0x3  }
0x10: {  	[dreg:$0x5] =	wrdreg s18;
	s19 =	sadd.s32 $0xCA00, s9;
	s17 =	smax.u32 s5, $0x1  }
0x11: {  	s18 =	simm.s32 $0x4;
	s6 =	sadd.s32 s6, s2;
	s2 =	sadd.s32 $0x83200, s2  }
0x12: {  	[dreg:$0x6] =	wrdreg s19;
	s21 =	sshrl.u32 s12, $0x3;
	s24 =	sshrl.u32 s22, $0x3  }
0x13: {  	s16 =	sadd.s32 $0x50, s22;
	s19 =	simm.s32 $0x13C00;
	s22 =	simm.s32 $0x16400  }
0x14: {  	s12 =	sadd.s32 $0x280, s21;
	s23 =	sadd.s32 s0, s21;
	s9 =	sadd.s32 s8, s21  }
0x15: {  	s25 =	sshrl.u32 s16, $0x3;
	s13 =	sadd.s32 s2, s15;
	s26 =	sshll.u32 s16, $0x4  }
0x16: {  	s16 =	sadd.s32 $0x34200, s6;
	s21 =	simm.s32 $0x80;
	[dreg:$0x7] =	wrdreg s23  }
0x17: {  	[dreg:$0x8] =	wrdreg s9;
	s10 =	sadd.s32 s0, s12;
	s11 =	sadd.s32 s8, s12  }
0x18: {  	s12 =	sadd.s32 s14, s24;
	s14 =	sadd.s32 s14, s25;
	s15 =	sadd.s32 s2, s26  }
0x19: {  	s23 =	simm.s32 $0x13C80;
	s24 =	simm.s32 $0x1A400;
	s25 =	simm.s32 $0x1  }
0x1a: {  	s26 =	simm.s32 $0x2;
	s0 =	simm.s32 $0x3;
	s2 =	simm.s32 $0x0  }
.LBB2_1:
0x1b: {  	s5 =	rddreg [dreg:$0x5]  }
0x1c: {  	s6 =	rddreg [dreg:$0x6];
	s5 =	sshrl.u32 s5, $0x3  }
0x1d: {  	[spmem:s5], [sflag:s7] =	dma.local [hbm:s6], $0x2780  }
0x1e: {  	_ =	swait.ge [sflag:s18], $0x2780  }
0x1f: {  	[sflag:s18] =	ssyncset.done $0x0  }
0x20: {  	[sflag:s18] =	ssyncadd.s32 $0xFFFFD880  }
0x21: {  	[bflag:$0x0] =	sbarrier.arrive $0xFFFF  }
0x22: {  	s9 =	rddreg [dreg:$0x7]  }
0x23: {  	[tilespmem:s19], [sflag:$0x4] =	stream.linear.gather [hbm4b:s9+s4], $0x1400, $0x38;
	[tilespmem:$0x1E480] =	vst v63  }
0x24: {  	_ =	swait.ge [sflag:s18], $0x1400  }
0x25: {  	[sflag:s18] =	ssyncset.done $0x0  }
0x26: {  	s8 =	rddreg [dreg:$0x8];
	[sflag:s18] =	ssyncadd.s32 $0xFFFFEC00  }
0x27: {  	[tilespmem:s20], [sflag:$0x4] =	stream.linear.gather [hbm4b:s8+s4], $0x1400, $0x38;
	[tilespmem:$0x1E480] =	vst v63  }
0x28: {  	_ =	swait.ge [sflag:s18], $0x1400  }
0x29: {  	[sflag:s18] =	ssyncset.done $0x0  }
0x2a: {  	[sflag:s18] =	ssyncadd.s32 $0xFFFFEC00  }
0x2b: {  	[tilespmem:s22], [sflag:$0x1] =	stream.indirect.gather [hbm4b:s1+s21], $0x80, s19, s21, $0xb8;
	[tilespmem:$0x1E480] =	vst v63  }
0x2c: {  	_ = 	snop  }
0x2d: {  	[tilespmem:s24], [sflag:$0x2] =	stream.indirect.gather [hbm4b:s1+s21], $0x80, s23, s21, $0xb8;
	[tilespmem:$0x1E480] =	vst v63  }
0x2e: {  	_ =	swait.ge [sflag:s25], $0x4000  }
0x2f: {  	[sflag:s25] =	ssyncset.done $0x0  }
0x30: {  	s9 =	simm.s32 $0x15000;
	[sflag:s25] =	ssyncadd.s32 $0xFFFFC000  }
0x31: {  	[spmem:s3] =	stream.indirect.scatter.add.f32 [tilespmem:s22], [sflag:$0x4], $0x80, s9, s21, $0xb8;
	[tilespmem:$0x1E480] =	vst v63  }
0x32: {  	_ =	swait.ge [sflag:s18], $0x4000  }
0x33: {  	[sflag:s18] =	ssyncset.done $0x0  }
0x34: {  	s8 =	simm.s32 $0x13D00;
	[sflag:s18] =	ssyncadd.s32 $0xFFFFC000  }
0x35: {  	[tilespmem:s22], [sflag:$0x1] =	stream.indirect.gather [hbm4b:s1+s21], $0x80, s8, s21, $0xb8;
	[tilespmem:$0x1E480] =	vst v63  }
0x36: {  	_ =	swait.ge [sflag:s26], $0x4000  }
0x37: {  	[sflag:s26] =	ssyncset.done $0x0  }
0x38: {  	s9 =	simm.s32 $0x15080;
	[sflag:s26] =	ssyncadd.s32 $0xFFFFC000  }
0x39: {  	[spmem:s3] =	stream.indirect.scatter.add.f32 [tilespmem:s24], [sflag:$0x4], $0x80, s9, s21, $0xb8;
	[tilespmem:$0x1E480] =	vst v63  }
0x3a: {  	_ =	swait.ge [sflag:s18], $0x4000  }
0x3b: {  	[sflag:s18] =	ssyncset.done $0x0  }
0x3c: {  	s6 =	simm.s32 $0x400;
	s8 =	simm.s32 $0x13D80;
	[sflag:s18] =	ssyncadd.s32 $0xFFFFC000  }
.LBB2_2:
0x3d: {  	[tilespmem:s24], [sflag:$0x2] =	stream.indirect.gather [hbm4b:s1+s21], $0x80, s8, s21, $0xb8;
	[tilespmem:$0x1E480] =	vst v63  }
0x3e: {  	s8 =	smov.u32 s6  }
0x3f: {  	p0 =	sne.s32 s6, $0x4800;
	s6 =	sadd.s32 $0x400, s6;
	_ =	swait.ge [sflag:s25], $0x4000  }
0x40: {  	s8 =	sshra.s32 s8, $0x2;
	[sflag:s25] =	ssyncset.done $0x0  }
0x41: {  	s9 =	sadd.s32 $0x15000, s8;
	[sflag:s25] =	ssyncadd.s32 $0xFFFFC000  }
0x42: {  	[spmem:s3] =	stream.indirect.scatter.add.f32 [tilespmem:s22], [sflag:$0x4], $0x80, s9, s21, $0xb8;
	[tilespmem:$0x1E480] =	vst v63  }
0x43: {  	_ =	swait.ge [sflag:s18], $0x4000  }
0x44: {  	[sflag:s18] =	ssyncset.done $0x0  }
0x45: {  	s9 =	sadd.s32 $0x13D00, s8;
	[sflag:s18] =	ssyncadd.s32 $0xFFFFC000  }
0x46: {  	[tilespmem:s22], [sflag:$0x1] =	stream.indirect.gather [hbm4b:s1+s21], $0x80, s9, s21, $0xb8;
	[tilespmem:$0x1E480] =	vst v63  }
0x47: {  	_ =	swait.ge [sflag:s26], $0x4000  }
0x48: {  	[sflag:s26] =	ssyncset.done $0x0  }
.Ltmp0:
0x49: {  	s9 =	sadd.s32 $0x15080, s8;
	[sflag:s26] =	ssyncadd.s32 $0xFFFFC000;
	(pc) =	sbr.rel @p0 .LBB2_2-.Ltmp0, $4  }
0x4a: {  	[spmem:s3] =	stream.indirect.scatter.add.f32 [tilespmem:s24], [sflag:$0x4], $0x80, s9, s21, $0xb8;
	[tilespmem:$0x1E480] =	vst v63  }
0x4b: {  	_ =	swait.ge [sflag:s18], $0x4000  }
0x4c: {  	[sflag:s18] =	ssyncset.done $0x0  }
0x4d: {  	s8 =	sadd.s32 $0x13D80, s8;
	[sflag:s18] =	ssyncadd.s32 $0xFFFFC000  }
0x4e: {  	[tilespmem:s24], [sflag:$0x2] =	stream.indirect.gather [hbm4b:s1+s21], $0x80, s8, s21, $0xb8;
	[tilespmem:$0x1E480] =	vst v63  }
0x4f: {  	_ =	swait.ge [sflag:s25], $0x4000  }
0x50: {  	[sflag:s25] =	ssyncset.done $0x0  }
0x51: {  	[sflag:s25] =	ssyncadd.s32 $0xFFFFC000  }
0x52: {  	[spmem:s3] =	stream.indirect.scatter.add.f32 [tilespmem:s22], [sflag:$0x4], $0x80, s28, s21, $0xb8;
	[tilespmem:$0x1E480] =	vst v63  }
0x53: {  	_ =	swait.ge [sflag:s18], $0x4000  }
0x54: {  	[sflag:s18] =	ssyncset.done $0x0  }
0x55: {  	[sflag:s18] =	ssyncadd.s32 $0xFFFFC000  }
0x56: {  	_ =	swait.ge [sflag:s26], $0x4000  }
0x57: {  	[sflag:s26] =	ssyncset.done $0x0  }
0x58: {  	[sflag:s26] =	ssyncadd.s32 $0xFFFFC000  }
0x59: {  	[spmem:s3] =	stream.indirect.scatter.add.f32 [tilespmem:s24], [sflag:$0x4], $0x80, s29, s21, $0xb8;
	[tilespmem:$0x1E480] =	vst v63  }
0x5a: {  	_ =	swait.ge [sflag:s18], $0x4000  }
0x5b: {  	[sflag:s18] =	ssyncset.done $0x0  }
0x5c: {  	s6 =	simm.s32 $0x0;
	[sflag:s18] =	ssyncadd.s32 $0xFFFFC000  }
0x5d: {  	[tilespmem:s19], [sflag:$0x4] =	stream.linear.gather [hbm4b:s10+s6], $0x1400, $0x38;
	[tilespmem:$0x1E480] =	vst v63  }
0x5e: {  	_ =	swait.ge [sflag:s18], $0x1400  }
0x5f: {  	[sflag:s18] =	ssyncset.done $0x0  }
0x60: {  	[sflag:s18] =	ssyncadd.s32 $0xFFFFEC00  }
0x61: {  	[tilespmem:s20], [sflag:$0x4] =	stream.linear.gather [hbm4b:s11+s6], $0x1400, $0x38;
	[tilespmem:$0x1E480] =	vst v63  }
0x62: {  	_ =	swait.ge [sflag:s18], $0x1400  }
0x63: {  	[sflag:s18] =	ssyncset.done $0x0  }
0x64: {  	[sflag:s18] =	ssyncadd.s32 $0xFFFFEC00  }
0x65: {  	[tilespmem:s22], [sflag:$0x1] =	stream.indirect.gather [hbm4b:s1+s21], $0x80, s19, s21, $0xb8;
	[tilespmem:$0x1E480] =	vst v63  }
0x66: {  	_ = 	snop  }
0x67: {  	[tilespmem:s24], [sflag:$0x2] =	stream.indirect.gather [hbm4b:s1+s21], $0x80, s23, s21, $0xb8;
	[tilespmem:$0x1E480] =	vst v63  }
0x68: {  	_ =	swait.ge [sflag:s25], $0x4000  }
0x69: {  	[sflag:s25] =	ssyncset.done $0x0  }
0x6a: {  	s9 =	simm.s32 $0x15000;
	[sflag:s25] =	ssyncadd.s32 $0xFFFFC000  }
0x6b: {  	[spmem:s3] =	stream.indirect.scatter.add.f32 [tilespmem:s22], [sflag:$0x4], $0x80, s9, s21, $0xb8;
	[tilespmem:$0x1E480] =	vst v63  }
0x6c: {  	_ =	swait.ge [sflag:s18], $0x4000  }
0x6d: {  	[sflag:s18] =	ssyncset.done $0x0  }
0x6e: {  	s8 =	simm.s32 $0x13D00;
	[sflag:s18] =	ssyncadd.s32 $0xFFFFC000  }
0x6f: {  	[tilespmem:s22], [sflag:$0x1] =	stream.indirect.gather [hbm4b:s1+s21], $0x80, s8, s21, $0xb8;
	[tilespmem:$0x1E480] =	vst v63  }
0x70: {  	_ =	swait.ge [sflag:s26], $0x4000  }
0x71: {  	[sflag:s26] =	ssyncset.done $0x0  }
0x72: {  	s9 =	simm.s32 $0x15080;
	[sflag:s26] =	ssyncadd.s32 $0xFFFFC000  }
0x73: {  	[spmem:s3] =	stream.indirect.scatter.add.f32 [tilespmem:s24], [sflag:$0x4], $0x80, s9, s21, $0xb8;
	[tilespmem:$0x1E480] =	vst v63  }
0x74: {  	_ =	swait.ge [sflag:s18], $0x4000  }
0x75: {  	[sflag:s18] =	ssyncset.done $0x0  }
0x76: {  	s6 =	simm.s32 $0x400;
	s8 =	simm.s32 $0x13D80;
	[sflag:s18] =	ssyncadd.s32 $0xFFFFC000  }
.LBB2_4:
0x77: {  	[tilespmem:s24], [sflag:$0x2] =	stream.indirect.gather [hbm4b:s1+s21], $0x80, s8, s21, $0xb8;
	[tilespmem:$0x1E480] =	vst v63  }
0x78: {  	s8 =	smov.u32 s6  }
0x79: {  	p0 =	sne.s32 s6, $0x4800;
	s6 =	sadd.s32 $0x400, s6;
	_ =	swait.ge [sflag:s25], $0x4000  }
0x7a: {  	s8 =	sshra.s32 s8, $0x2;
	[sflag:s25] =	ssyncset.done $0x0  }
0x7b: {  	s9 =	sadd.s32 $0x15000, s8;
	[sflag:s25] =	ssyncadd.s32 $0xFFFFC000  }
0x7c: {  	[spmem:s3] =	stream.indirect.scatter.add.f32 [tilespmem:s22], [sflag:$0x4], $0x80, s9, s21, $0xb8;
	[tilespmem:$0x1E480] =	vst v63  }
0x7d: {  	_ =	swait.ge [sflag:s18], $0x4000  }
0x7e: {  	[sflag:s18] =	ssyncset.done $0x0  }
0x7f: {  	s9 =	sadd.s32 $0x13D00, s8;
	[sflag:s18] =	ssyncadd.s32 $0xFFFFC000  }
0x80: {  	[tilespmem:s22], [sflag:$0x1] =	stream.indirect.gather [hbm4b:s1+s21], $0x80, s9, s21, $0xb8;
	[tilespmem:$0x1E480] =	vst v63  }
0x81: {  	_ =	swait.ge [sflag:s26], $0x4000  }
0x82: {  	[sflag:s26] =	ssyncset.done $0x0  }
.Ltmp1:
0x83: {  	s9 =	sadd.s32 $0x15080, s8;
	[sflag:s26] =	ssyncadd.s32 $0xFFFFC000;
	(pc) =	sbr.rel @p0 .LBB2_4-.Ltmp1, $4  }
0x84: {  	[spmem:s3] =	stream.indirect.scatter.add.f32 [tilespmem:s24], [sflag:$0x4], $0x80, s9, s21, $0xb8;
	[tilespmem:$0x1E480] =	vst v63  }
0x85: {  	_ =	swait.ge [sflag:s18], $0x4000  }
0x86: {  	[sflag:s18] =	ssyncset.done $0x0  }
0x87: {  	s8 =	sadd.s32 $0x13D80, s8;
	[sflag:s18] =	ssyncadd.s32 $0xFFFFC000  }
0x88: {  	[tilespmem:s24], [sflag:$0x2] =	stream.indirect.gather [hbm4b:s1+s21], $0x80, s8, s21, $0xb8;
	[tilespmem:$0x1E480] =	vst v63  }
0x89: {  	_ =	swait.ge [sflag:s25], $0x4000  }
0x8a: {  	[sflag:s25] =	ssyncset.done $0x0  }
0x8b: {  	[sflag:s25] =	ssyncadd.s32 $0xFFFFC000  }
0x8c: {  	[spmem:s3] =	stream.indirect.scatter.add.f32 [tilespmem:s22], [sflag:$0x4], $0x80, s28, s21, $0xb8;
	[tilespmem:$0x1E480] =	vst v63  }
0x8d: {  	_ =	swait.ge [sflag:s18], $0x4000  }
0x8e: {  	[sflag:s18] =	ssyncset.done $0x0  }
0x8f: {  	[sflag:s18] =	ssyncadd.s32 $0xFFFFC000  }
0x90: {  	_ =	swait.ge [sflag:s26], $0x4000  }
0x91: {  	[sflag:s26] =	ssyncset.done $0x0  }
0x92: {  	[sflag:s26] =	ssyncadd.s32 $0xFFFFC000  }
0x93: {  	[spmem:s3] =	stream.indirect.scatter.add.f32 [tilespmem:s24], [sflag:$0x4], $0x80, s29, s21, $0xb8;
	[tilespmem:$0x1E480] =	vst v63  }
0x94: {  	_ =	swait.ge [sflag:s18], $0x4000  }
0x95: {  	[sflag:s18] =	ssyncset.done $0x0  }
0x96: {  	[sflag:s18] =	ssyncadd.s32 $0xFFFFC000  }
0x97: {  	[tilespmem:s30], [sflag:$0x4] =	stream.linear.gather [hbm4b:s12+s4], $0x50, $0x38;
	[tilespmem:$0x1E480] =	vst v63  }
0x98: {  	_ =	swait.ge [sflag:s18], $0x50  }
0x99: {  	[sflag:s18] =	ssyncset.done $0x0  }
0x9a: {  	[sflag:s18] =	ssyncadd.s32 $0xFFFFFFB0  }
0x9b: {  	[tilespmem:s22], [sflag:$0x3] =	stream.indirect.gather [hbm4b:s1+s31], $0x80, s30, s31, $0xb8;
	[tilespmem:$0x1E480] =	vst v63  }
0x9c: {  	_ =	swait.ge [sflag:s0], $0x2800  }
0x9d: {  	[sflag:s0] =	ssyncset.done $0x0  }
0x9e: {  	[sflag:s0] =	ssyncadd.s32 $0xFFFFD800  }
0x9f: {  	[hbm4b:s13+s4] =	stream.linear.scatter [tilespmem:s22], [sflag:$0x4], $0x2800, $0x38;
	[tilespmem:$0x1E480] =	vst v63  }
0xa0: {  	_ =	swait.ge [sflag:s18], $0x2800  }
0xa1: {  	[sflag:s18] =	ssyncset.done $0x0  }
0xa2: {  	[sflag:s18] =	ssyncadd.s32 $0xFFFFD800  }
0xa3: {  	[tilespmem:s30], [sflag:$0x4] =	stream.linear.gather [hbm4b:s14+s4], $0x50, $0x38;
	[tilespmem:$0x1E480] =	vst v63  }
0xa4: {  	_ =	swait.ge [sflag:s18], $0x50  }
0xa5: {  	[sflag:s18] =	ssyncset.done $0x0  }
0xa6: {  	[sflag:s18] =	ssyncadd.s32 $0xFFFFFFB0  }
0xa7: {  	[tilespmem:s22], [sflag:$0x3] =	stream.indirect.gather [hbm4b:s1+s31], $0x80, s30, s31, $0xb8;
	[tilespmem:$0x1E480] =	vst v63  }
0xa8: {  	_ =	swait.ge [sflag:s0], $0x2800  }
0xa9: {  	[sflag:s0] =	ssyncset.done $0x0  }
0xaa: {  	[sflag:s0] =	ssyncadd.s32 $0xFFFFD800  }
0xab: {  	[hbm4b:s15+s4] =	stream.linear.scatter [tilespmem:s22], [sflag:$0x4], $0x2800, $0x38;
	[tilespmem:$0x1E480] =	vst v63  }
0xac: {  	_ =	swait.ge [sflag:s18], $0x2800  }
0xad: {  	s2 =	sadd.s32 $0x1, s2;
	[sflag:s18] =	ssyncset.done $0x0  }
0xae: {  	p0 =	sne.s32 s2, s17;
	[sflag:s18] =	ssyncadd.s32 $0xFFFFD800  }
.Ltmp2:
0xaf: {  	[bflag:$0x0] =	sbarrier.arrive $0xFFFF;
	(pc) =	sbr.rel @p0 .LBB2_1-.Ltmp2, $4  }
0xb0: {  	[hbm:s16], [sflag:s7] =	dma.local [spmem:s5], $0x2780  }
0xb1: {  	_ =	swait.ge [sflag:s18], $0x2780  }
0xb2: {  	[sflag:s18] =	ssyncset.done $0x0  }
0xb3: {  	[sflag:s18] =	ssyncadd.s32 $0xFFFFD880  }
0xb4: {  	_ =	sfence.sel $0x180000  }
0xb5: {  	[bflag:$0x0] =	sbarrier.arrive $0xFFFF  }
0xb6: {  	_ =	strace $0x90000047  }
0xb7: {  	s0 =	stileid.u32;
	[bflag:$0x2] =	sbarrier.arrive $0xFFFF  }
0xb8: {  	p0 =	sne.s32 s0, $0x0;
	s0 =	rddreg [dreg:$0x4]  }
0xb9: {  	s0 =	sadd.s32 @!p0 $0x100000, s0  }
0xba: {  	[sflag:s0] =	ssyncadd.tile.s32 @!p0 $0x1;
	_ =	shalt  }
.Lfunc_end2:
_tile_overlayer_lowered:
.L_overlay_start_2:
0xbb: {  	(tag) =	ssettag $0x2  }
0xbc: {  	s0 =	rddreg [dreg:$0x0];
	s2 =	stileid.u32  }
0xbd: {  	s1 =	rddreg [dreg:$0x1];
	p0 =	sne.s32 s2, $0x0  }
0xbe: {  	s3 =	rddreg [dreg:$0x2];
	[bflag:$0x3] =	sbarrier.arrive $0xFFFF;
	s2 =	simm.s32 @!p0 $0x1C04  }
0xbf: {  	[timem:s3], [sflag:s2] =	dma.local @!p0 [hbm:s0], s1  }
0xc0: {  	s0 =	simm.s32 @!p0 $0x4  }
0xc1: {  	_ =	swait.ge @!p0 [sflag:s0], s1  }
0xc2: {  	s1 =	ssub.s32 @!p0 $0x0, s1;
	[sflag:s0] =	ssyncset.done @!p0 $0x0  }
0xc3: {  	[sflag:s0] =	ssyncadd.s32 @!p0 s1  }
0xc4: {  	[bflag:$0x3] =	sbarrier.arrive $0xFFFF  }
0xc5: {  	_ =	shalt  }

// kernel: kernel.9.cloned.1.call-start
scs
__scs_entry_jumppad:
0x0: {  	(pc) =	sbr.rel $0x88, $3  }
0x1: {  	(tag) =	ssettag $0x0;
	lr =	simm.s32 $0x1  }
0x2: {  	[smem:$0x3F94] =	sst lr;
	_ =	strace $0xD0000000  }
0x3: {  	_ = 	snop  }
0x4: {  	_ = 	snop  }
0x5: {  	_ = 	snop  }
0x6: {  	_ = 	snop  }
0x7: {  	_ = 	snop  }
__scs_overlays_trampoline_lowered:
0x8: {  	[smem:$0x3FA3] =	sst s0  }
0x9: {  	[smem:$0x3FA4] =	sst s1  }
0xa: {  	[smem:$0x3FA5] =	sst s2  }
0xb: {  	[smem:$0x3FA6] =	sst s3  }
0xc: {  	[smem:$0x3FA7] =	sst s4  }
0xd: {  	[smem:$0x3FA8] =	sst s5  }
0xe: {  	[smem:$0x3FA9] =	sst s6  }
0xf: {  	[smem:$0x3FAA] =	sst s7  }
0x10: {  	[smem:$0x3FAB] =	sst s8  }
0x11: {  	[smem:$0x3FAC] =	sst s9;
	s0 =	simm.s32 @!p0 $0x0  }
0x12: {  	s1 =	sld [smem:$0x3F92];
	s0 =	simm.s32 @p0 $0x1  }
0x13: {  	[smem:$0x3FAD] =	sst s0;
	s0 =	simm.s32 @!p1 $0x0  }
0x14: {  	s2 =	sld [smem:$0x3F91];
	s0 =	simm.s32 @p1 $0x1  }
0x15: {  	[smem:$0x3FAE] =	sst s0;
	s0 =	simm.s32 @!p2 $0x0  }
0x16: {  	s3 =	sld [smem:$0x3FDB];
	s0 =	simm.s32 @p2 $0x1  }
0x17: {  	s4 =	simm.s32 $0x1BF5;
	[smem:$0x3FB0] =	sst s0  }
0x18: {  	s0 =	sld [smem:$0x3F93];
	_ =	swait.ge [sflag:s4], $0x0  }
0x19: {  	s7 =	sld [smem:$0x3F94]  }
0x1a: {  	s8 =	sadd.s32 $0xFFFFE003, lr  }
0x1b: {  	s9 =	sadd.s32 $0xFFFFFEF7, lr;
	s5 =	simm.s32 $0xFFFFFFFF;
	p2 =	slt.u32 s8, $0xFFFFF086  }
0x1c: {  	p1 =	slt.u32 s9, $0xF7A;
	s5 =	simm.s32 @!p2 $0x0  }
0x1d: {  	s5 =	simm.s32 @p1 $0x1;
	p0 =	seq.s32 s7, s2  }
0x1e: {  	s7 =	smul.u32 @!p0 $0xF7A, s2;
	p2 =	seq.s32 @!p0 s5, $0x0  }
0x1f: {  	s9 =	smul.u32 $0xF7A, s1;
	s8 =	simm.s32 @!p0 $0x1BF5;
	p2 =	por !p2, p0  }
0x20: {  	[sflag:s8] =	ssyncset.s32 @!p0 $0xFFFFF086;
	s6 =	sadd.s32 @!p0 s3, s7;
	s7 =	simm.s32 @!p0 $0x108  }
0x21: {  	s3 =	sadd.s32 s3, s9;
	s6 =	sadd.s32 @!p0 $0x88, s6;
	s7 =	simm.s32 @p2 $0x1082  }
0x22: {  	[simem:s7], [sflag:s8] =	dma.local @!p0 [hbm:s6], $0xF7A  }
0x23: {  	s9 =	sor.u32 $0xD0000000, s2;
	s6 =	simm.s32 $0x108;
	_ =	swait.ge @!p0 [sflag:s8], $0x0  }
0x24: {  	s3 =	sadd.s32 $0x88, s3;
	s6 =	simm.s32 @!p1 $0x1082;
	[sflag:s4] =	ssyncset.s32 $0xFFFFF086  }
0x25: {  	[simem:s6], [sflag:s4] =	dma.local [hbm:s3], $0xF7A  }
0x26: {  	[smem:$0x3F94] =	sst s1;
	(tag) =	ssettag s2;
	_ =	strace s9  }
0x27: {  	s1 =	sld [smem:$0x3FA4]  }
0x28: {  	s2 =	sld [smem:$0x3FA5]  }
0x29: {  	s4 =	sld [smem:$0x3FA7]  }
0x2a: {  	p0 =	seq.s32 s5, $0x0;
	s5 =	sld [smem:$0x3FA8]  }
0x2b: {  	s6 =	sld [smem:$0x3FA9]  }
0x2c: {  	s7 =	sld [smem:$0x3FAA]  }
0x2d: {  	s3 =	simm.s32 $0x108;
	s8 =	sld [smem:$0x3FAB]  }
0x2e: {  	s3 =	simm.s32 @!p0 $0x1082;
	s9 =	sld [smem:$0x3FAC]  }
0x2f: {  	lr =	sadd.s32 s0, s3;
	s0 =	sld [smem:$0x3FA3]  }
0x30: {  	s3 =	sld [smem:$0x3FA6]  }
0x31: {  	[smem:$0x3FAF] =	sst s10  }
0x32: {  	s10 =	sld [smem:$0x3FAD];
	_ =	sdelay $0x3  }
0x33: {  	p0 =	seq.s32 s10, $0x1;
	s10 =	sld [smem:$0x3FAF];
	_ =	sdelay $0x3  }
0x34: {  	[smem:$0x3FAF] =	sst s10  }
0x35: {  	s10 =	sld [smem:$0x3FAE];
	_ =	sdelay $0x3  }
0x36: {  	p1 =	seq.s32 s10, $0x1;
	s10 =	sld [smem:$0x3FAF];
	_ =	sdelay $0x3  }
0x37: {  	[smem:$0x3FAF] =	sst s10  }
0x38: {  	s10 =	sld [smem:$0x3FB0]  }
0x39: {  	_ = 	snop;
	(pc) =	sbr.ind lr, $3  }
0x3a: {  	_ = 	snop  }
0x3b: {  	_ = 	snop  }
0x3c: {  	p2 =	seq.s32 s10, $0x1;
	s10 =	sld [smem:$0x3FAF]  }
0x3d: {  	_ =	shalt  }
0x3e: {  	_ =	shalt  }
0x3f: {  	_ =	shalt  }
0x40: {  	_ =	shalt  }
0x41: {  	_ =	shalt  }
0x42: {  	_ =	shalt  }
0x43: {  	_ =	shalt  }
0x44: {  	_ =	shalt  }
0x45: {  	_ =	shalt  }
0x46: {  	_ =	shalt  }
0x47: {  	_ =	shalt  }
0x48: {  	_ =	shalt  }
0x49: {  	_ =	shalt  }
0x4a: {  	_ =	shalt  }
0x4b: {  	_ =	shalt  }
0x4c: {  	_ =	shalt  }
0x4d: {  	_ =	shalt  }
0x4e: {  	_ =	shalt  }
0x4f: {  	_ =	shalt  }
0x50: {  	_ =	shalt  }
0x51: {  	_ =	shalt  }
0x52: {  	_ =	shalt  }
0x53: {  	_ =	shalt  }
0x54: {  	_ =	shalt  }
0x55: {  	_ =	shalt  }
0x56: {  	_ =	shalt  }
0x57: {  	_ =	shalt  }
0x58: {  	_ =	shalt  }
0x59: {  	_ =	shalt  }
0x5a: {  	_ =	shalt  }
0x5b: {  	_ =	shalt  }
0x5c: {  	_ =	shalt  }
0x5d: {  	_ =	shalt  }
0x5e: {  	_ =	shalt  }
0x5f: {  	_ =	shalt  }
0x60: {  	_ =	shalt  }
0x61: {  	_ =	shalt  }
0x62: {  	_ =	shalt  }
0x63: {  	_ =	shalt  }
0x64: {  	_ =	shalt  }
0x65: {  	_ =	shalt  }
0x66: {  	_ =	shalt  }
0x67: {  	_ =	shalt  }
0x68: {  	_ =	shalt  }
0x69: {  	_ =	shalt  }
0x6a: {  	_ =	shalt  }
0x6b: {  	_ =	shalt  }
0x6c: {  	_ =	shalt  }
0x6d: {  	_ =	shalt  }
0x6e: {  	_ =	shalt  }
0x6f: {  	_ =	shalt  }
0x70: {  	_ =	shalt  }
0x71: {  	_ =	shalt  }
0x72: {  	_ =	shalt  }
0x73: {  	_ =	shalt  }
0x74: {  	_ =	shalt  }
0x75: {  	_ =	shalt  }
0x76: {  	_ =	shalt  }
0x77: {  	_ =	shalt  }
0x78: {  	_ =	shalt  }
0x79: {  	_ =	shalt  }
0x7a: {  	_ =	shalt  }
0x7b: {  	_ =	shalt  }
0x7c: {  	_ =	shalt  }
0x7d: {  	_ =	shalt  }
0x7e: {  	_ =	shalt  }
0x7f: {  	_ =	shalt  }
0x80: {  	_ =	shalt  }
0x81: {  	_ =	shalt  }
0x82: {  	_ =	shalt  }
0x83: {  	_ =	shalt  }
0x84: {  	_ =	shalt  }
0x85: {  	_ =	shalt  }
0x86: {  	_ =	shalt  }
0x87: {  	_ =	shalt  }
.Lfunc_end0:
.L_simem_size_0:
called_computation.1_lowered:
.L_overlay_start_0:
0x88: {  	s2 =	sld [smem:$0x3FD9]  }
0x89: {  	s3 =	sld [smem:$0x3FFE];
	_ =	sdelay $0x1  }
0x8a: {  	s1 =	srdreg.scid  }
0x8b: {  	s0 =	sand.u32 $0x1, s1  }
0x8c: {  	s16 =	sshll.u32 s0, $0xA;
	s2 =	sadd.s32 s3, s2  }
0x8d: {  	s2 =	sadd.s32 s2, s16  }
0x8e: {  	[smem:$0x3FBB] =	sst s2  }
0x8f: {  	_ = 	snop  }
0x90: {  	(tm) =	ssettm $0x1  }
0x91: {  	s17 =	sld [smem:$0x3FFB];
	_ =	sdelay $0x3  }
0x92: {  	_ =	strace s17  }
0x93: {  	s2 =	sld [smem:$0x3FFC];
	_ =	sdelay $0x3  }
0x94: {  	_ =	strace s2  }
0x95: {  	s2 =	sld [smem:$0x3FFD];
	_ =	sdelay $0x3  }
0x96: {  	_ =	strace s2  }
0x97: {  	_ =	strace $0x8FFFFFFF  }
0x98: {  	s18 =	sld [smem:$0x3FDB];
	_ =	sdelay $0x1  }
0x99: {  	s19 =	simm.s32 $_scs_section_size  }
0x9a: {  	s4 =	simm.s32 $_size__tile_overlayer_lowered;
	s5 =	simm.s32 $_tile_overlayer_lowered  }
0x9b: {  	s22 =	simm.s32 $0x1BFF;
	s21 =	sshll.u32 s5, $0x1;
	s2 =	sadd.s32 s19, s18  }
0x9c: {  	s6 =	simm.s32 $0x0;
	s20 =	sshll.u32 s4, $0x1;
	s4 =	sadd.s32 s21, s2  }
0x9d: {  	[timem:s6], [sflag:s22] =	dma.local [hbm:s4], s20  }
0x9e: {  	_ =	swait.ge [sflag:s22], s20  }
0x9f: {  	s3 =	ssub.s32 $0x0, s20;
	[sflag:s22] =	ssyncset.done $0x0  }
0xa0: {  	[sflag:s22] =	ssyncadd.s32 s3;
	_ =	sdelay $0x1  }
0xa1: {  	s23 =	simm.s32 $0x1B8B  }
0xa2: {  	_ =	swait.ge [sflag:s23], $0x1  }
0xa3: {  	[sflag:s23] =	ssyncset.done $0x0  }
0xa4: {  	s25 =	simm.s32 $0x1B8E;
	s24 =	sld [smem:$0x3FFE];
	[sflag:s23] =	ssyncadd.s32 $0xFFFFFFFF  }
0xa5: {  	s26 =	simm.s32 $execute0_lowered;
	[smem:$0x3FD2] =	sst s25  }
0xa6: {  	s4 =	sshll.u32 s26, $0x1;
	_ =	strace $0x80000049;
	[dreg:$0x1] =	wrdreg $0xFFFFFFFF  }
0xa7: {  	s28 =	simm.s32 $_size_execute0_lowered;
	s2 =	sadd.s32 s2, s4;
	[dreg:$0x0] =	wrdreg $0x0  }
0xa8: {  	s4 =	sshll.u32 s28, $0x1;
	[dreg:$0x2] =	wrdreg s2  }
0xa9: {  	[dreg:$0x3] =	wrdreg s4  }
0xaa: {  	[dreg:$0x4] =	wrdreg $0xC0  }
0xab: {  	_ =	task [dreg:s6], $0x5FFFF  }
0xac: {  	[dreg:$0x1] =	wrdreg $0xFFFFFFFF  }
0xad: {  	[dreg:$0x0] =	wrdreg $0x60  }
0xae: {  	[dreg:$0x2] =	wrdreg s24  }
0xaf: {  	[dreg:$0x3] =	wrdreg $0x0  }
0xb0: {  	[dreg:$0x4] =	wrdreg $0x9  }
0xb1: {  	_ =	task.clear_ibuf [dreg:s6], $0x5FFFF;
	_ =	strace $0x90000049  }
0xb2: {  	s29 =	simm.s32 $0x9;
	_ =	strace $0x8000004B  }
0xb3: {  	_ =	swait.ge [sflag:s29], $0x1  }
0xb4: {  	[sflag:s29] =	ssyncadd.s32 $0xFFFFFFFF  }
0xb5: {  	_ =	strace $0x9000004B  }
0xb6: {  	_ =	sfence  }
0xb7: {  	s30 =	sld [smem:$0x0];
	_ =	sdelay $0x2  }
0xb8: {  	s31 =	sshll.u32 s1, $0xD;
	s1 =	sshrl.u32 s1, $0x2  }
0xb9: {  	s3 =	sand.u32 $0x4000, s31;
	s1 =	sadd.s32 s1, s30  }
0xba: {  	s0 =	sor.u32 s3, s0;
	s1 =	sshll.u32 s1, $0x11  }
0xbb: {  	s0 =	sor.u32 s1, s0  }
0xbc: {  	s0 =	sadd.s32 $0x8F2B, s0  }
0xbd: {  	[sflag:s0] =	ssyncadd.remote.s32 $0x1  }
0xbe: {  	_ =	sfence.sel $0xFFFF  }
0xbf: {  	[dreg:$0x0] =	wrdreg $0xFFFFFFFF;
	(pc) =	sbr.abs _section_cstart, $3  }
0xc0: {  	[dreg:$0x1] =	wrdreg $0xFFFFFFFF  }
0xc1: {  	_ =	task.clear_ibuf [dreg:s6], $0x2FFFF;
	_ =	strace $0x9FFFFFFF  }
0xc2: {  	(tm) =	ssettm $0x7FFFFFFF  }
0xc3: {  	_ =	shalt  }
tec
execute0_lowered:
.L_overlay_start_1:
0x0: {  	(tag) =	ssettag $0x1  }
0x1: {  	s0 =	srdreg.scid;
	s1 =	rddreg [dreg:$0x0]  }
0x2: {  	s12 =	stileid.u32;
	s2 =	rddreg [dreg:$0x1];
	s18 =	simm.s32 $0x4  }
0x3: {  	s19 =	simm.s32 $0xA000;
	s28 =	simm.s32 $0x1;
	s29 =	simm.s32 $0x2  }
0x4: {  	s31 =	simm.s32 $0xDB80;
	s0 =	sand.u32 $0x1, s0;
	s8 =	smul.u32 $0xA000, s12  }
0x5: {  	s4 =	sadd.s32 $0x2A00, s1;
	s5 =	sadd.s32 $0x29C00, s1;
	s6 =	sadd.s32 $0x2600, s1  }
0x6: {  	s21 =	smul.u32 $0x28000, s12;
	s24 =	sshll.u32 s12, $0x6;
	s3 =	sshll.u32 s0, $0x4  }
0x7: {  	s9 =	smul.u32 $0xA0000, s0;
	s0 =	ssub.s32 $0x2, s0;
	s10 =	sor.u32 s12, s3  }
0x8: {  	s3 =	simm.s32 $0x0;
	s20 =	sshrl.u32 s8, $0x3;
	s22 =	sshrl.u32 s0, $0x1  }
0x9: {  	s23 =	sshrl.u32 s21, $0x2;
	s21 =	simm.s32 $0x0;
	s7 =	smul.u32 $0x280, s10  }
0xa: {  	[smem:$0x7FF] =	sst s3;
	s8 =	sadd.s32 s8, s9;
	s25 =	smul.u32 $0xA0, s10  }
0xb: {  	s0 =	ssub.s32 s0, s22;
	s17 =	sadd.s32 s23, s2;
	s14 =	smul.u32 $0xA00, s10  }
0xc: {  	s22 =	simm.s32 $0x80;
	_ =	strace $0x8000004A;
	s8 =	sshrl.u32 s8, $0x3  }
0xd: {  	s17 =	sshrl.u32 s17, $0x3;
	s11 =	sadd.s32 s7, s1;
	s7 =	sadd.s32 s20, s1  }
0xe: {  	s15 =	sadd.s32 s8, s1;
	s1 =	sadd.s32 $0x64E00, s1;
	s8 =	sor.u32 $0x1C04, s24  }
0xf: {  	s13 =	sshrl.u32 s25, $0x3;
	s16 =	sadd.s32 $0x50, s25;
	s24 =	simm.s32 $0xF000  }
0x10: {  	s20 =	simm.s32 $0x3;
	s7 =	sadd.s32 $0x50E00, s7;
	s9 =	sadd.s32 $0x97200, s11  }
0x11: {  	s10 =	sadd.s32 $0x9C200, s11;
	s11 =	sadd.s32 s6, s13;
	s26 =	sshrl.u32 s16, $0x3  }
0x12: {  	s12 =	sadd.s32 s1, s14;
	s30 =	sshll.u32 s16, $0x4;
	s15 =	sadd.s32 $0xA1200, s15  }
0x13: {  	s16 =	smax.u32 s0, $0x1;
	s0 =	simm.s32 $0x50;
	s13 =	sadd.s32 s6, s26  }
0x14: {  	s14 =	sadd.s32 s1, s30;
	s26 =	simm.s32 $0x13000;
	s1 =	simm.s32 $0x17000  }
.LBB2_1:
0x15: {  	[spmem:s17], [sflag:s8] =	dma.local [hbm:s7], $0x1400  }
0x16: {  	_ =	swait.ge [sflag:s18], $0x1400  }
0x17: {  	[sflag:s18] =	ssyncset.done $0x0  }
0x18: {  	[sflag:s18] =	ssyncadd.s32 $0xFFFFEC00  }
0x19: {  	[bflag:$0x0] =	sbarrier.arrive $0xFFFF  }
0x1a: {  	[tilespmem:s19], [sflag:$0x4] =	stream.linear.gather [hbm4b:s6+s3], $0x1400, $0x38;
	[tilespmem:$0x17080] =	vst v63  }
0x1b: {  	_ =	swait.ge [sflag:s18], $0x1400  }
0x1c: {  	[sflag:s18] =	ssyncset.done $0x0  }
0x1d: {  	s23 =	simm.s32 $0xB400;
	[sflag:s18] =	ssyncadd.s32 $0xFFFFEC00  }
0x1e: {  	[tilespmem:s23], [sflag:$0x4] =	stream.linear.gather [hbm4b:s9+s3], $0x1400, $0x38;
	[tilespmem:$0x17080] =	vst v63  }
0x1f: {  	_ =	swait.ge [sflag:s18], $0x1400  }
0x20: {  	[sflag:s18] =	ssyncset.done $0x0  }
0x21: {  	s25 =	simm.s32 $0xC800;
	[sflag:s18] =	ssyncadd.s32 $0xFFFFEC00  }
0x22: {  	[tilespmem:s25], [sflag:$0x4] =	stream.linear.gather [hbm4b:s10+s3], $0x1400, $0x38;
	[tilespmem:$0x17080] =	vst v63  }
0x23: {  	_ =	swait.ge [sflag:s18], $0x1400  }
0x24: {  	[sflag:s18] =	ssyncset.done $0x0  }
0x25: {  	s23 =	simm.s32 $0x0;
	[sflag:s18] =	ssyncadd.s32 $0xFFFFEC00  }
0x26: {  	v0 =	vld [tilespmem:s23+$0xB400];
	_ =	sdelay $0x7  }
0x27: {  	s30 =	simm.s32 $0x80;
	s25 =	simm.s32 $0x10;
	v0 =	vld.idx.msk [tilespmem:v0+s19+$0x0], $0xffff  }
.LBB2_2:
0x28: {  	p0 =	sne.s32 s30, $0x4FC0;
	v1 =	vld [tilespmem:s25+$0xB400];
	_ =	sdelay $0x3  }
.Ltmp0:
0x29: {  	(pc) =	sbr.rel @p0 .LBB2_2-.Ltmp0, $2  }
0x2a: {  	[tilespmem:s23+$0xDC00] =	vst v0;
	s23 =	smov.u32 s25;
	_ =	sdelay $0x2  }
0x2b: {  	s25 =	sshra.s32 s30, $0x2;
	s30 =	sadd.s32 $0x40, s30;
	v0 =	vld.idx.msk [tilespmem:v1+s19+$0x0], $0xffff  }
0x2c: {  	v1 =	vld [tilespmem:s25+$0xB400];
	_ =	sdelay $0x6  }
0x2d: {  	[tilespmem:s23+$0xDC00] =	vst v0  }
0x2e: {  	v0 =	vld.idx.msk [tilespmem:v1+s19+$0x0], $0xffff;
	_ =	sdelay $0x4  }
0x2f: {  	s30 =	simm.s32 $0xDC00;
	[tilespmem:s25+$0xDC00] =	vst v0  }
0x30: {  	[tilespmem:s24], [sflag:$0x1] =	stream.indirect.gather [hbm4b:s4+s22], $0x80, s30, s22, $0xb8;
	[tilespmem:$0x17080] =	vst v63  }
0x31: {  	s25 =	simm.s32 $0xDC80  }
0x32: {  	[tilespmem:s26], [sflag:$0x2] =	stream.indirect.gather [hbm4b:s4+s22], $0x80, s25, s22, $0xb8;
	[tilespmem:$0x17080] =	vst v63  }
0x33: {  	_ =	swait.ge [sflag:s28], $0x4000  }
0x34: {  	[sflag:s28] =	ssyncset.done $0x0  }
0x35: {  	s30 =	simm.s32 $0xC800;
	[sflag:s28] =	ssyncadd.s32 $0xFFFFC000  }
0x36: {  	[spmem:s2] =	stream.indirect.scatter.add.f32 [tilespmem:s24], [sflag:$0x4], $0x80, s30, s22, $0xb8;
	[tilespmem:$0x17080] =	vst v63  }
0x37: {  	_ =	swait.ge [sflag:s18], $0x4000  }
0x38: {  	[sflag:s18] =	ssyncset.done $0x0  }
0x39: {  	s25 =	simm.s32 $0xDD00;
	[sflag:s18] =	ssyncadd.s32 $0xFFFFC000  }
0x3a: {  	[tilespmem:s24], [sflag:$0x1] =	stream.indirect.gather [hbm4b:s4+s22], $0x80, s25, s22, $0xb8;
	[tilespmem:$0x17080] =	vst v63  }
0x3b: {  	_ =	swait.ge [sflag:s29], $0x4000  }
0x3c: {  	[sflag:s29] =	ssyncset.done $0x0  }
0x3d: {  	s30 =	simm.s32 $0xC880;
	[sflag:s29] =	ssyncadd.s32 $0xFFFFC000  }
0x3e: {  	[spmem:s2] =	stream.indirect.scatter.add.f32 [tilespmem:s26], [sflag:$0x4], $0x80, s30, s22, $0xb8;
	[tilespmem:$0x17080] =	vst v63  }
0x3f: {  	_ =	swait.ge [sflag:s18], $0x4000  }
0x40: {  	[sflag:s18] =	ssyncset.done $0x0  }
0x41: {  	s23 =	simm.s32 $0x400;
	s25 =	simm.s32 $0xDD80;
	[sflag:s18] =	ssyncadd.s32 $0xFFFFC000  }
.LBB2_4:
0x42: {  	[tilespmem:s26], [sflag:$0x2] =	stream.indirect.gather [hbm4b:s4+s22], $0x80, s25, s22, $0xb8;
	[tilespmem:$0x17080] =	vst v63  }
0x43: {  	s25 =	smov.u32 s23  }
0x44: {  	p0 =	sne.s32 s23, $0x4800;
	s23 =	sadd.s32 $0x400, s23;
	_ =	swait.ge [sflag:s28], $0x4000  }
0x45: {  	s25 =	sshra.s32 s25, $0x2;
	[sflag:s28] =	ssyncset.done $0x0  }
0x46: {  	s30 =	sadd.s32 $0xC800, s25;
	[sflag:s28] =	ssyncadd.s32 $0xFFFFC000  }
0x47: {  	[spmem:s2] =	stream.indirect.scatter.add.f32 [tilespmem:s24], [sflag:$0x4], $0x80, s30, s22, $0xb8;
	[tilespmem:$0x17080] =	vst v63  }
0x48: {  	_ =	swait.ge [sflag:s18], $0x4000  }
0x49: {  	[sflag:s18] =	ssyncset.done $0x0  }
0x4a: {  	s30 =	sadd.s32 $0xDD00, s25;
	[sflag:s18] =	ssyncadd.s32 $0xFFFFC000  }
0x4b: {  	[tilespmem:s24], [sflag:$0x1] =	stream.indirect.gather [hbm4b:s4+s22], $0x80, s30, s22, $0xb8;
	[tilespmem:$0x17080] =	vst v63  }
0x4c: {  	_ =	swait.ge [sflag:s29], $0x4000  }
0x4d: {  	[sflag:s29] =	ssyncset.done $0x0  }
.Ltmp1:
0x4e: {  	s30 =	sadd.s32 $0xC880, s25;
	[sflag:s29] =	ssyncadd.s32 $0xFFFFC000;
	(pc) =	sbr.rel @p0 .LBB2_4-.Ltmp1, $4  }
0x4f: {  	[spmem:s2] =	stream.indirect.scatter.add.f32 [tilespmem:s26], [sflag:$0x4], $0x80, s30, s22, $0xb8;
	[tilespmem:$0x17080] =	vst v63  }
0x50: {  	_ =	swait.ge [sflag:s18], $0x4000  }
0x51: {  	[sflag:s18] =	ssyncset.done $0x0  }
0x52: {  	s25 =	sadd.s32 $0xDD80, s25;
	[sflag:s18] =	ssyncadd.s32 $0xFFFFC000  }
0x53: {  	[tilespmem:s26], [sflag:$0x2] =	stream.indirect.gather [hbm4b:s4+s22], $0x80, s25, s22, $0xb8;
	[tilespmem:$0x17080] =	vst v63  }
0x54: {  	_ =	swait.ge [sflag:s28], $0x4000  }
0x55: {  	[sflag:s28] =	ssyncset.done $0x0  }
0x56: {  	s23 =	simm.s32 $0xDB00;
	[sflag:s28] =	ssyncadd.s32 $0xFFFFC000  }
0x57: {  	[spmem:s2] =	stream.indirect.scatter.add.f32 [tilespmem:s24], [sflag:$0x4], $0x80, s23, s22, $0xb8;
	[tilespmem:$0x17080] =	vst v63  }
0x58: {  	_ =	swait.ge [sflag:s18], $0x4000  }
0x59: {  	[sflag:s18] =	ssyncset.done $0x0  }
0x5a: {  	[sflag:s18] =	ssyncadd.s32 $0xFFFFC000  }
0x5b: {  	_ =	swait.ge [sflag:s29], $0x4000  }
0x5c: {  	[sflag:s29] =	ssyncset.done $0x0  }
0x5d: {  	[sflag:s29] =	ssyncadd.s32 $0xFFFFC000  }
0x5e: {  	[spmem:s2] =	stream.indirect.scatter.add.f32 [tilespmem:s26], [sflag:$0x4], $0x80, s31, s22, $0xb8;
	[tilespmem:$0x17080] =	vst v63  }
0x5f: {  	_ =	swait.ge [sflag:s18], $0x4000  }
0x60: {  	[sflag:s18] =	ssyncset.done $0x0  }
0x61: {  	[sflag:s18] =	ssyncadd.s32 $0xFFFFC000  }
0x62: {  	[tilespmem:s1], [sflag:$0x4] =	stream.linear.gather [hbm4b:s11+s3], $0x50, $0x38;
	[tilespmem:$0x17080] =	vst v63  }
0x63: {  	_ =	swait.ge [sflag:s18], $0x50  }
0x64: {  	[sflag:s18] =	ssyncset.done $0x0  }
0x65: {  	[sflag:s18] =	ssyncadd.s32 $0xFFFFFFB0  }
0x66: {  	[tilespmem:s24], [sflag:$0x3] =	stream.indirect.gather [hbm4b:s5+s0], $0x80, s1, s0, $0xb8;
	[tilespmem:$0x17080] =	vst v63  }
0x67: {  	_ =	swait.ge [sflag:s20], $0x2800  }
0x68: {  	[sflag:s20] =	ssyncset.done $0x0  }
0x69: {  	[sflag:s20] =	ssyncadd.s32 $0xFFFFD800  }
0x6a: {  	[hbm4b:s12+s3] =	stream.linear.scatter [tilespmem:s24], [sflag:$0x4], $0x2800, $0x38;
	[tilespmem:$0x17080] =	vst v63  }
0x6b: {  	_ =	swait.ge [sflag:s18], $0x2800  }
0x6c: {  	[sflag:s18] =	ssyncset.done $0x0  }
0x6d: {  	[sflag:s18] =	ssyncadd.s32 $0xFFFFD800  }
0x6e: {  	[tilespmem:s1], [sflag:$0x4] =	stream.linear.gather [hbm4b:s13+s3], $0x50, $0x38;
	[tilespmem:$0x17080] =	vst v63  }
0x6f: {  	_ =	swait.ge [sflag:s18], $0x50  }
0x70: {  	[sflag:s18] =	ssyncset.done $0x0  }
0x71: {  	[sflag:s18] =	ssyncadd.s32 $0xFFFFFFB0  }
0x72: {  	[tilespmem:s24], [sflag:$0x3] =	stream.indirect.gather [hbm4b:s5+s0], $0x80, s1, s0, $0xb8;
	[tilespmem:$0x17080] =	vst v63  }
0x73: {  	_ =	swait.ge [sflag:s20], $0x2800  }
0x74: {  	[sflag:s20] =	ssyncset.done $0x0  }
0x75: {  	[sflag:s20] =	ssyncadd.s32 $0xFFFFD800  }
0x76: {  	[hbm4b:s14+s3] =	stream.linear.scatter [tilespmem:s24], [sflag:$0x4], $0x2800, $0x38;
	[tilespmem:$0x17080] =	vst v63  }
0x77: {  	_ =	swait.ge [sflag:s18], $0x2800  }
0x78: {  	s21 =	sadd.s32 $0x1, s21;
	[sflag:s18] =	ssyncset.done $0x0  }
0x79: {  	p0 =	sne.s32 s21, s16;
	[sflag:s18] =	ssyncadd.s32 $0xFFFFD800  }
.Ltmp2:
0x7a: {  	[bflag:$0x0] =	sbarrier.arrive $0xFFFF;
	(pc) =	sbr.rel @p0 .LBB2_1-.Ltmp2, $4  }
0x7b: {  	[hbm:s15], [sflag:s8] =	dma.local [spmem:s17], $0x1400  }
0x7c: {  	_ =	swait.ge [sflag:s18], $0x1400  }
0x7d: {  	[sflag:s18] =	ssyncset.done $0x0  }
0x7e: {  	[sflag:s18] =	ssyncadd.s32 $0xFFFFEC00  }
0x7f: {  	_ =	sfence.sel $0x180000  }
0x80: {  	[bflag:$0x0] =	sbarrier.arrive $0xFFFF  }
0x81: {  	_ =	strace $0x9000004A  }
0x82: {  	s0 =	stileid.u32;
	[bflag:$0x2] =	sbarrier.arrive $0xFFFF  }
0x83: {  	p0 =	sne.s32 s0, $0x0;
	s0 =	rddreg [dreg:$0x2]  }
0x84: {  	s0 =	sadd.s32 @!p0 $0x100000, s0  }
0x85: {  	[sflag:s0] =	ssyncadd.tile.s32 @!p0 $0x1;
	_ =	shalt  }
.Lfunc_end2:
_tile_overlayer_lowered:
.L_overlay_start_2:
0x86: {  	(tag) =	ssettag $0x2  }
0x87: {  	s0 =	rddreg [dreg:$0x0];
	s2 =	stileid.u32  }
0x88: {  	s1 =	rddreg [dreg:$0x1];
	p0 =	sne.s32 s2, $0x0  }
0x89: {  	s3 =	rddreg [dreg:$0x2];
	[bflag:$0x3] =	sbarrier.arrive $0xFFFF;
	s2 =	simm.s32 @!p0 $0x1C04  }
0x8a: {  	[timem:s3], [sflag:s2] =	dma.local @!p0 [hbm:s0], s1  }
0x8b: {  	s0 =	simm.s32 @!p0 $0x4  }
0x8c: {  	_ =	swait.ge @!p0 [sflag:s0], s1  }
0x8d: {  	s1 =	ssub.s32 @!p0 $0x0, s1;
	[sflag:s0] =	ssyncset.done @!p0 $0x0  }
0x8e: {  	[sflag:s0] =	ssyncadd.s32 @!p0 s1  }
0x8f: {  	[bflag:$0x3] =	sbarrier.arrive $0xFFFF  }
0x90: {  	_ =	shalt  }

</sc_bundles>
